<compile_context>
chip_gen: v7x
topology: tpu7x:2x2x1
jax: 0.10.2.dev20260603
libtpu: 0.0.44.dev20260713+nightly
codegen_flags: <defaults>
</compile_context>

<pallas_src>
import functools

import jax
import jax.numpy as jnp
from jax import lax
from jax.experimental import pallas as pl
from jax.experimental.pallas import tpu as pltpu
from jax.experimental.pallas import tpu_sc as plsc

NC = 2
NS = 16
NW = NC * NS

B = 4096
T = 1000


def _sc_bits(idxT):
    mesh = plsc.VectorSubcoreMesh(core_axis_name="c", subcore_axis_name="s")

    @functools.partial(
        pl.kernel,
        mesh=mesh,
        compiler_params=pltpu.CompilerParams(needs_layout_passes=False),
        out_type=jax.ShapeDtypeStruct((T, 2, 4, B), jnp.float32),
        scratch_types=[
            pltpu.VMEM((2, B), jnp.int32),
            pltpu.VMEM((2, 2, 4, B), jnp.float32),
            pltpu.SemaphoreType.DMA((2,)),
            pltpu.SemaphoreType.DMA((2,)),
        ],
    )
    def k(idxT_hbm, out_hbm, idx_v, out_v, sin, sout):
        wid = lax.axis_index("s") * NC + lax.axis_index("c")
        t0 = 31 * wid + jnp.minimum(wid, 8)
        nt = jnp.where(wid < 8, 32, 31)

        def in_copy(r, p):
            return pltpu.make_async_copy(
                idxT_hbm.at[t0 + r], idx_v.at[p], sin.at[p]
            )

        def out_copy(r, p):
            return pltpu.make_async_copy(
                out_v.at[p], out_hbm.at[t0 + r], sout.at[p]
            )

        in_copy(0, 0).start()

        def chunk_body(r, carry):
            p = r & 1

            @pl.when(r + 1 < nt)
            def _():
                in_copy(r + 1, 1 - p).start()

            @pl.when(r >= 2)
            def _():
                out_copy(r - 2, p).wait()

            in_copy(r, p).wait()

            @plsc.parallel_loop(0, B // 16, unroll=8)
            def lane_group(l):
                v = idx_v[p, pl.ds(l * 16, 16)]
                for c in range(2):
                    for j in range(4):
                        bit = lax.shift_right_logical(v, 4 * c + j) & 1
                        out_v[p, c, j, pl.ds(l * 16, 16)] = bit.astype(
                            jnp.float32
                        )
            out_copy(r, p).start()
            return carry

        lax.fori_loop(0, nt, chunk_body, 0)
        out_copy(nt - 2, nt & 1).wait()
        out_copy(nt - 1, 1 - (nt & 1)).wait()

    return k(idxT)


def kernel(idx, W):
    del W
    outT = _sc_bits(idx.T)
    return jnp.transpose(outT, (3, 0, 1, 2))

# --- scband reference (transcript-rebuilt; emitter-appended) ---
"""Pipeline reference for scband-projection-codebook-22436909155001 (READ-ONLY COPY).

The authoritative reference and input builder live on the scoring server;
editing this copy changes nothing except your own understanding.
"""

import jax, jax.numpy as jnp
import numpy as np

N_BINS_TOTAL = 8  # 2 speakers * 4 bins
N_CLASSES = 2 ** N_BINS_TOTAL  # 256


def _create_code_vectors(n_bins=N_BINS_TOTAL):
    # Maps every class index to its little-endian binary one-hot vector,
    # exactly matching single_idx_to_onehot in the torch module.
    n_codes = 2 ** n_bins
    embs = np.zeros((n_codes, n_bins), dtype=np.float32)
    for i in range(n_codes):
        for j in range(n_bins):
            embs[i, j] = float((i >> j) & 1)
    return jnp.asarray(embs)


def setup_inputs(seed: int = 0) -> dict:
    key = jax.random.key(seed)
    idx = jax.random.randint(key, (4096, 1000), 0, N_CLASSES)
    W = _create_code_vectors()  # frozen nn.Embedding weight, shape (256, 8)
    return {"idx": idx, "W": W}


def reference(idx, W):
    # forward == idx_to_onehot: embedding lookup then split the 8 bins into
    # (2 speakers, 4 bins), i.e. rearrange '... (c b) -> ... c b' with c=2.
    oh = jnp.take(W, idx, axis=0)  # (..., 8)
    oh = oh.reshape(idx.shape + (2, 4))  # (..., 2, 4)
    return oh

if __name__ == "__main__":
    import jax
    _d = setup_inputs()
    print(jax.jit(kernel)(*tuple(_d.values())))

</pallas_src>

<mosaic_0001>
#map = affine_map<(d0, d1) -> (0, 0)>
#map1 = affine_map<(d0, d1) -> (0, 0, 0, 0)>
module attributes {stable_mosaic.version = 14 : i64} {
  func.func @k(%arg0: i32, %arg1: i32, %arg2: memref<1000x4096xi32, #tpu.memory_space<hbm>>, %arg3: memref<1000x2x4x4096xf32, #tpu.memory_space<hbm>>, %arg4: memref<2x4096xi32, #tpu.memory_space<vmem>>, %arg5: memref<2x2x4x4096xf32, #tpu.memory_space<vmem>>, %arg6: memref<2x!tpu.dma_semaphore, #tpu.memory_space<semaphore_mem>>, %arg7: memref<2x!tpu.dma_semaphore, #tpu.memory_space<semaphore_mem>>) attributes {dimension_semantics = [#tpu.dimension_semantics<core_parallel>, #tpu.dimension_semantics<subcore_parallel>], iteration_bounds = array<i64: 2, 16>, scalar_prefetch = 0 : i64, scratch_operands = 4 : i64, tpu.core_type = #tpu.core_type<sc_vector_subcore>, window_params = [{transform_indices = #map}, {transform_indices = #map1}]} {
    %mul3A = arith.constant 2 : i32
    %mul3A_0 = arith.muli %arg1, %mul3A : i32
    %add3A = arith.addi %mul3A_0, %arg0 : i32
    %mul3A_1 = arith.constant 31 : i32
    %mul3A_2 = arith.muli %mul3A_1, %add3A : i32
    %min3A = arith.constant 8 : i32
    %min3A_3 = arith.minsi %add3A, %min3A : i32
    %add3A_4 = arith.addi %mul3A_2, %min3A_3 : i32
    %lt3A = arith.constant 8 : i32
    %lt3A_5 = arith.cmpi slt, %add3A, %lt3A : i32
    %jit3A = arith.constant 32 : i32
    %jit3A_6 = arith.constant 31 : i32
    %select_n3A = arith.select %lt3A_5, %jit3A, %jit3A_6 : i32
    %add3A_7 = arith.constant 0 : i32
    %add3A_8 = arith.addi %add3A_4, %add3A_7 : i32
    %dma_start3A = arith.constant 0 : i32
    %dma_start3A_9 = arith.constant 0 : i32
    %dma_start3A_10 = arith.constant 0 : i32
    %dma_start3A_11 = tpu.memref_slice %arg4[%dma_start3A, %dma_start3A_10] : memref<2x4096xi32, #tpu.memory_space<vmem>> -> memref<1x4096xi32, #tpu.memory_space<vmem>>
    %dma_start3A_12 = tpu.memref_squeeze %dma_start3A_11 : memref<1x4096xi32, #tpu.memory_space<vmem>> -> memref<4096xi32, #tpu.memory_space<vmem>>
    %dma_start3A_13 = arith.constant 0 : i32
    %dma_start3A_14 = tpu.memref_slice %arg2[%add3A_8, %dma_start3A_13] : memref<1000x4096xi32, #tpu.memory_space<hbm>> -> memref<1x4096xi32, #tpu.memory_space<hbm>>
    %dma_start3A_15 = tpu.memref_squeeze %dma_start3A_14 : memref<1x4096xi32, #tpu.memory_space<hbm>> -> memref<4096xi32, #tpu.memory_space<hbm>>
    %dma_start3A_16 = tpu.memref_slice %arg6[%dma_start3A_9] : memref<2x!tpu.dma_semaphore, #tpu.memory_space<semaphore_mem>> -> memref<1x!tpu.dma_semaphore, #tpu.memory_space<semaphore_mem>>
    %dma_start3A_17 = tpu.memref_squeeze %dma_start3A_16 : memref<1x!tpu.dma_semaphore, #tpu.memory_space<semaphore_mem>> -> memref<!tpu.dma_semaphore, #tpu.memory_space<semaphore_mem>>
    %dma_start3A_18 = arith.constant 0 : i32
    %dma_start3A_19 = tpu.memref_slice %arg4[%dma_start3A, %dma_start3A_18] : memref<2x4096xi32, #tpu.memory_space<vmem>> -> memref<1x4096xi32, #tpu.memory_space<vmem>>
    %dma_start3A_20 = tpu.memref_squeeze %dma_start3A_19 : memref<1x4096xi32, #tpu.memory_space<vmem>> -> memref<4096xi32, #tpu.memory_space<vmem>>
    %dma_start3A_21 = arith.constant 0 : i32
    %dma_start3A_22 = tpu.memref_slice %arg2[%add3A_8, %dma_start3A_21] : memref<1000x4096xi32, #tpu.memory_space<hbm>> -> memref<1x4096xi32, #tpu.memory_space<hbm>>
    %dma_start3A_23 = tpu.memref_squeeze %dma_start3A_22 : memref<1x4096xi32, #tpu.memory_space<hbm>> -> memref<4096xi32, #tpu.memory_space<hbm>>
    tpu.enqueue_dma source(%dma_start3A_23 : memref<4096xi32, #tpu.memory_space<hbm>>) target(%dma_start3A_20 : memref<4096xi32, #tpu.memory_space<vmem>>) target_semaphore(%dma_start3A_17 : memref<!tpu.dma_semaphore, #tpu.memory_space<semaphore_mem>>)
    %while3A = arith.constant 0 : i32
    %while3A_24 = arith.constant 0 : i32
    %while3A_25 = arith.subi %select_n3A, %while3A_24 : i32
    %while3A_26 = arith.addi %while3A_24, %while3A_25 : i32
    %while3A_27 = arith.constant 1 : i32
    %while3A_28 = arith.divsi %while3A_25, %while3A_27 : i32
    %while3A_29 = arith.muli %while3A_28, %while3A_27 : i32
    %while3A_30 = arith.addi %while3A_24, %while3A_29 : i32
    %while3A_31 = arith.constant 1 : i32
    scf.for %while3A_86 = %while3A_24 to %while3A_30 step %while3A_31  : i32 {
      %and3A_87 = arith.constant 1 : i32
      %and3A_88 = arith.andi %while3A_86, %and3A_87 : i32
      %add3A_89 = arith.constant 1 : i32
      %add3A_90 = arith.addi %while3A_86, %add3A_89 : i32
      %lt3A_91 = arith.cmpi slt, %add3A_90, %select_n3A : i32
      %convert_element_type3A = arith.extui %lt3A_91 : i1 to i32
      %cond3A = arith.constant 0 : i32
      %cond3A_92 = arith.cmpi ne, %convert_element_type3A, %cond3A : i32
      scf.if %cond3A_92 {
        %add3A_137 = arith.constant 1 : i32
        %add3A_138 = arith.addi %while3A_86, %add3A_137 : i32
        %sub3A_139 = arith.constant 1 : i32
        %sub3A_140 = arith.subi %sub3A_139, %and3A_88 : i32
        %add3A_141 = arith.addi %add3A_4, %add3A_138 : i32
        %dma_start3A_142 = arith.constant 0 : i32
        %dma_start3A_143 = tpu.memref_slice %arg4[%sub3A_140, %dma_start3A_142] : memref<2x4096xi32, #tpu.memory_space<vmem>> -> memref<1x4096xi32, #tpu.memory_space<vmem>>
        %dma_start3A_144 = tpu.memref_squeeze %dma_start3A_143 : memref<1x4096xi32, #tpu.memory_space<vmem>> -> memref<4096xi32, #tpu.memory_space<vmem>>
        %dma_start3A_145 = arith.constant 0 : i32
        %dma_start3A_146 = tpu.memref_slice %arg2[%add3A_141, %dma_start3A_145] : memref<1000x4096xi32, #tpu.memory_space<hbm>> -> memref<1x4096xi32, #tpu.memory_space<hbm>>
        %dma_start3A_147 = tpu.memref_squeeze %dma_start3A_146 : memref<1x4096xi32, #tpu.memory_space<hbm>> -> memref<4096xi32, #tpu.memory_space<hbm>>
        %dma_start3A_148 = tpu.memref_slice %arg6[%sub3A_140] : memref<2x!tpu.dma_semaphore, #tpu.memory_space<semaphore_mem>> -> memref<1x!tpu.dma_semaphore, #tpu.memory_space<semaphore_mem>>
        %dma_start3A_149 = tpu.memref_squeeze %dma_start3A_148 : memref<1x!tpu.dma_semaphore, #tpu.memory_space<semaphore_mem>> -> memref<!tpu.dma_semaphore, #tpu.memory_space<semaphore_mem>>
        %dma_start3A_150 = arith.constant 0 : i32
        %dma_start3A_151 = tpu.memref_slice %arg4[%sub3A_140, %dma_start3A_150] : memref<2x4096xi32, #tpu.memory_space<vmem>> -> memref<1x4096xi32, #tpu.memory_space<vmem>>
        %dma_start3A_152 = tpu.memref_squeeze %dma_start3A_151 : memref<1x4096xi32, #tpu.memory_space<vmem>> -> memref<4096xi32, #tpu.memory_space<vmem>>
        %dma_start3A_153 = arith.constant 0 : i32
        %dma_start3A_154 = tpu.memref_slice %arg2[%add3A_141, %dma_start3A_153] : memref<1000x4096xi32, #tpu.memory_space<hbm>> -> memref<1x4096xi32, #tpu.memory_space<hbm>>
        %dma_start3A_155 = tpu.memref_squeeze %dma_start3A_154 : memref<1x4096xi32, #tpu.memory_space<hbm>> -> memref<4096xi32, #tpu.memory_space<hbm>>
        tpu.enqueue_dma source(%dma_start3A_155 : memref<4096xi32, #tpu.memory_space<hbm>>) target(%dma_start3A_152 : memref<4096xi32, #tpu.memory_space<vmem>>) target_semaphore(%dma_start3A_149 : memref<!tpu.dma_semaphore, #tpu.memory_space<semaphore_mem>>)
      } else {
      }
      %ge3A = arith.constant 2 : i32
      %ge3A_93 = arith.cmpi sge, %while3A_86, %ge3A : i32
      %convert_element_type3A_94 = arith.extui %ge3A_93 : i1 to i32
      %cond3A_95 = arith.constant 0 : i32
      %cond3A_96 = arith.cmpi ne, %convert_element_type3A_94, %cond3A_95 : i32
      scf.if %cond3A_96 {
        %sub3A_137 = arith.constant 2 : i32
        %sub3A_138 = arith.subi %while3A_86, %sub3A_137 : i32
        %add3A_139 = arith.addi %add3A_4, %sub3A_138 : i32
        %dma_wait3A_140 = arith.constant 0 : i32
        %dma_wait3A_141 = arith.constant 0 : i32
        %dma_wait3A_142 = arith.constant 0 : i32
        %dma_wait3A_143 = tpu.memref_slice %arg5[%and3A_88, %dma_wait3A_140, %dma_wait3A_141, %dma_wait3A_142] : memref<2x2x4x4096xf32, #tpu.memory_space<vmem>> -> memref<1x2x4x4096xf32, #tpu.memory_space<vmem>>
        %dma_wait3A_144 = tpu.memref_squeeze %dma_wait3A_143 : memref<1x2x4x4096xf32, #tpu.memory_space<vmem>> -> memref<2x4x4096xf32, #tpu.memory_space<vmem>>
        %dma_wait3A_145 = arith.constant 0 : i32
        %dma_wait3A_146 = arith.constant 0 : i32
        %dma_wait3A_147 = arith.constant 0 : i32
        %dma_wait3A_148 = tpu.memref_slice %arg3[%add3A_139, %dma_wait3A_145, %dma_wait3A_146, %dma_wait3A_147] : memref<1000x2x4x4096xf32, #tpu.memory_space<hbm>> -> memref<1x2x4x4096xf32, #tpu.memory_space<hbm>>
        %dma_wait3A_149 = tpu.memref_squeeze %dma_wait3A_148 : memref<1x2x4x4096xf32, #tpu.memory_space<hbm>> -> memref<2x4x4096xf32, #tpu.memory_space<hbm>>
        %dma_wait3A_150 = tpu.memref_slice %arg7[%and3A_88] : memref<2x!tpu.dma_semaphore, #tpu.memory_space<semaphore_mem>> -> memref<1x!tpu.dma_semaphore, #tpu.memory_space<semaphore_mem>>
        %dma_wait3A_151 = tpu.memref_squeeze %dma_wait3A_150 : memref<1x!tpu.dma_semaphore, #tpu.memory_space<semaphore_mem>> -> memref<!tpu.dma_semaphore, #tpu.memory_space<semaphore_mem>>
        %dma_wait3A_152 = arith.constant 0 : i32
        %dma_wait3A_153 = arith.constant 0 : i32
        %dma_wait3A_154 = arith.constant 0 : i32
        %dma_wait3A_155 = tpu.memref_slice %arg3[%add3A_139, %dma_wait3A_152, %dma_wait3A_153, %dma_wait3A_154] : memref<1000x2x4x4096xf32, #tpu.memory_space<hbm>> -> memref<1x2x4x4096xf32, #tpu.memory_space<hbm>>
        %dma_wait3A_156 = tpu.memref_squeeze %dma_wait3A_155 : memref<1x2x4x4096xf32, #tpu.memory_space<hbm>> -> memref<2x4x4096xf32, #tpu.memory_space<hbm>>
        %dma_wait3A_157 = arith.constant 0 : i32
        %dma_wait3A_158 = arith.constant 0 : i32
        %dma_wait3A_159 = arith.constant 0 : i32
        %dma_wait3A_160 = tpu.memref_slice %arg5[%and3A_88, %dma_wait3A_157, %dma_wait3A_158, %dma_wait3A_159] : memref<2x2x4x4096xf32, #tpu.memory_space<vmem>> -> memref<1x2x4x4096xf32, #tpu.memory_space<vmem>>
        %dma_wait3A_161 = tpu.memref_squeeze %dma_wait3A_160 : memref<1x2x4x4096xf32, #tpu.memory_space<vmem>> -> memref<2x4x4096xf32, #tpu.memory_space<vmem>>
        tpu.wait_dma2 semaphore(%dma_wait3A_151 : memref<!tpu.dma_semaphore, #tpu.memory_space<semaphore_mem>>) src(%dma_wait3A_161 : memref<2x4x4096xf32, #tpu.memory_space<vmem>>) dst(%dma_wait3A_156 : memref<2x4x4096xf32, #tpu.memory_space<hbm>>)
      } else {
      }
      %add3A_97 = arith.addi %add3A_4, %while3A_86 : i32
      %dma_wait3A_98 = arith.constant 0 : i32
      %dma_wait3A_99 = tpu.memref_slice %arg4[%and3A_88, %dma_wait3A_98] : memref<2x4096xi32, #tpu.memory_space<vmem>> -> memref<1x4096xi32, #tpu.memory_space<vmem>>
      %dma_wait3A_100 = tpu.memref_squeeze %dma_wait3A_99 : memref<1x4096xi32, #tpu.memory_space<vmem>> -> memref<4096xi32, #tpu.memory_space<vmem>>
      %dma_wait3A_101 = arith.constant 0 : i32
      %dma_wait3A_102 = tpu.memref_slice %arg2[%add3A_97, %dma_wait3A_101] : memref<1000x4096xi32, #tpu.memory_space<hbm>> -> memref<1x4096xi32, #tpu.memory_space<hbm>>
      %dma_wait3A_103 = tpu.memref_squeeze %dma_wait3A_102 : memref<1x4096xi32, #tpu.memory_space<hbm>> -> memref<4096xi32, #tpu.memory_space<hbm>>
      %dma_wait3A_104 = tpu.memref_slice %arg6[%and3A_88] : memref<2x!tpu.dma_semaphore, #tpu.memory_space<semaphore_mem>> -> memref<1x!tpu.dma_semaphore, #tpu.memory_space<semaphore_mem>>
      %dma_wait3A_105 = tpu.memref_squeeze %dma_wait3A_104 : memref<1x!tpu.dma_semaphore, #tpu.memory_space<semaphore_mem>> -> memref<!tpu.dma_semaphore, #tpu.memory_space<semaphore_mem>>
      %dma_wait3A_106 = arith.constant 0 : i32
      %dma_wait3A_107 = tpu.memref_slice %arg4[%and3A_88, %dma_wait3A_106] : memref<2x4096xi32, #tpu.memory_space<vmem>> -> memref<1x4096xi32, #tpu.memory_space<vmem>>
      %dma_wait3A_108 = tpu.memref_squeeze %dma_wait3A_107 : memref<1x4096xi32, #tpu.memory_space<vmem>> -> memref<4096xi32, #tpu.memory_space<vmem>>
      %dma_wait3A_109 = arith.constant 0 : i32
      %dma_wait3A_110 = tpu.memref_slice %arg2[%add3A_97, %dma_wait3A_109] : memref<1000x4096xi32, #tpu.memory_space<hbm>> -> memref<1x4096xi32, #tpu.memory_space<hbm>>
      %dma_wait3A_111 = tpu.memref_squeeze %dma_wait3A_110 : memref<1x4096xi32, #tpu.memory_space<hbm>> -> memref<4096xi32, #tpu.memory_space<hbm>>
      tpu.wait_dma2 semaphore(%dma_wait3A_105 : memref<!tpu.dma_semaphore, #tpu.memory_space<semaphore_mem>>) src(%dma_wait3A_111 : memref<4096xi32, #tpu.memory_space<hbm>>) dst(%dma_wait3A_108 : memref<4096xi32, #tpu.memory_space<vmem>>)
      %parallel_loop3A = arith.constant 0 : i32
      %parallel_loop3A_112 = arith.constant 256 : i32
      %parallel_loop3A_113 = arith.constant 1 : i32
      scf.for %parallel_loop3A_137 = %parallel_loop3A to %parallel_loop3A_112 step %parallel_loop3A_113  : i32 {
        %parallel_loop3A_138 = arith.constant 16 : i32
        %parallel_loop3A_139 = arith.muli %parallel_loop3A_137, %parallel_loop3A_138 : i32
        %parallel_loop3A_140 = arith.index_cast %and3A_88 : i32 to index
        %parallel_loop3A_141 = arith.index_cast %parallel_loop3A_139 : i32 to index
        %parallel_loop3A_142 = tpu.vector_load %arg4[%parallel_loop3A_140, %parallel_loop3A_141] {strides = array<i32>} : memref<2x4096xi32, #tpu.memory_space<vmem>>, vector<16xi32>,
        %parallel_loop3A_143 = arith.constant 0 : i32
        %parallel_loop3A_144 = vector.broadcast %parallel_loop3A_143 : i32 to vector<16xi32>
        %parallel_loop3A_145 = arith.shrui %parallel_loop3A_142, %parallel_loop3A_144 : vector<16xi32>
        %parallel_loop3A_146 = arith.constant 1 : i32
        %parallel_loop3A_147 = vector.broadcast %parallel_loop3A_146 : i32 to vector<16xi32>
        %parallel_loop3A_148 = arith.andi %parallel_loop3A_145, %parallel_loop3A_147 : vector<16xi32>
        %parallel_loop3A_149 = arith.sitofp %parallel_loop3A_148 : vector<16xi32> to vector<16xf32>
        %parallel_loop3A_150 = arith.constant 16 : i32
        %parallel_loop3A_151 = arith.muli %parallel_loop3A_137, %parallel_loop3A_150 : i32
        %parallel_loop3A_152 = arith.constant 0 : i32
        %parallel_loop3A_153 = arith.constant 0 : i32
        %parallel_loop3A_154 = arith.index_cast %and3A_88 : i32 to index
        %parallel_loop3A_155 = arith.index_cast %parallel_loop3A_152 : i32 to index
        %parallel_loop3A_156 = arith.index_cast %parallel_loop3A_153 : i32 to index
        %parallel_loop3A_157 = arith.index_cast %parallel_loop3A_151 : i32 to index
        %parallel_loop3A_158 = tpu.vector_load %arg5[%parallel_loop3A_154, %parallel_loop3A_155, %parallel_loop3A_156, %parallel_loop3A_157] {strides = array<i32>} : memref<2x2x4x4096xf32, #tpu.memory_space<vmem>>, vector<16xf32>,
        tpu.vector_store %arg5[%parallel_loop3A_154, %parallel_loop3A_155, %parallel_loop3A_156, %parallel_loop3A_157], %parallel_loop3A_149 {strides = array<i32>} : memref<2x2x4x4096xf32, #tpu.memory_space<vmem>>, vector<16xf32>,
        %parallel_loop3A_159 = arith.constant 1 : i32
        %parallel_loop3A_160 = vector.broadcast %parallel_loop3A_159 : i32 to vector<16xi32>
        %parallel_loop3A_161 = arith.shrui %parallel_loop3A_142, %parallel_loop3A_160 : vector<16xi32>
        %parallel_loop3A_162 = arith.constant 1 : i32
        %parallel_loop3A_163 = vector.broadcast %parallel_loop3A_162 : i32 to vector<16xi32>
        %parallel_loop3A_164 = arith.andi %parallel_loop3A_161, %parallel_loop3A_163 : vector<16xi32>
        %parallel_loop3A_165 = arith.sitofp %parallel_loop3A_164 : vector<16xi32> to vector<16xf32>
        %parallel_loop3A_166 = arith.constant 16 : i32
        %parallel_loop3A_167 = arith.muli %parallel_loop3A_137, %parallel_loop3A_166 : i32
        %parallel_loop3A_168 = arith.constant 0 : i32
        %parallel_loop3A_169 = arith.constant 1 : i32
        %parallel_loop3A_170 = arith.index_cast %and3A_88 : i32 to index
        %parallel_loop3A_171 = arith.index_cast %parallel_loop3A_168 : i32 to index
        %parallel_loop3A_172 = arith.index_cast %parallel_loop3A_169 : i32 to index
        %parallel_loop3A_173 = arith.index_cast %parallel_loop3A_167 : i32 to index
        %parallel_loop3A_174 = tpu.vector_load %arg5[%parallel_loop3A_170, %parallel_loop3A_171, %parallel_loop3A_172, %parallel_loop3A_173] {strides = array<i32>} : memref<2x2x4x4096xf32, #tpu.memory_space<vmem>>, vector<16xf32>,
        tpu.vector_store %arg5[%parallel_loop3A_170, %parallel_loop3A_171, %parallel_loop3A_172, %parallel_loop3A_173], %parallel_loop3A_165 {strides = array<i32>} : memref<2x2x4x4096xf32, #tpu.memory_space<vmem>>, vector<16xf32>,
        %parallel_loop3A_175 = arith.constant 2 : i32
        %parallel_loop3A_176 = vector.broadcast %parallel_loop3A_175 : i32 to vector<16xi32>
        %parallel_loop3A_177 = arith.shrui %parallel_loop3A_142, %parallel_loop3A_176 : vector<16xi32>
        %parallel_loop3A_178 = arith.constant 1 : i32
        %parallel_loop3A_179 = vector.broadcast %parallel_loop3A_178 : i32 to vector<16xi32>
        %parallel_loop3A_180 = arith.andi %parallel_loop3A_177, %parallel_loop3A_179 : vector<16xi32>
        %parallel_loop3A_181 = arith.sitofp %parallel_loop3A_180 : vector<16xi32> to vector<16xf32>
        %parallel_loop3A_182 = arith.constant 16 : i32
        %parallel_loop3A_183 = arith.muli %parallel_loop3A_137, %parallel_loop3A_182 : i32
        %parallel_loop3A_184 = arith.constant 0 : i32
        %parallel_loop3A_185 = arith.constant 2 : i32
        %parallel_loop3A_186 = arith.index_cast %and3A_88 : i32 to index
        %parallel_loop3A_187 = arith.index_cast %parallel_loop3A_184 : i32 to index
        %parallel_loop3A_188 = arith.index_cast %parallel_loop3A_185 : i32 to index
        %parallel_loop3A_189 = arith.index_cast %parallel_loop3A_183 : i32 to index
        %parallel_loop3A_190 = tpu.vector_load %arg5[%parallel_loop3A_186, %parallel_loop3A_187, %parallel_loop3A_188, %parallel_loop3A_189] {strides = array<i32>} : memref<2x2x4x4096xf32, #tpu.memory_space<vmem>>, vector<16xf32>,
        tpu.vector_store %arg5[%parallel_loop3A_186, %parallel_loop3A_187, %parallel_loop3A_188, %parallel_loop3A_189], %parallel_loop3A_181 {strides = array<i32>} : memref<2x2x4x4096xf32, #tpu.memory_space<vmem>>, vector<16xf32>,
        %parallel_loop3A_191 = arith.constant 3 : i32
        %parallel_loop3A_192 = vector.broadcast %parallel_loop3A_191 : i32 to vector<16xi32>
        %parallel_loop3A_193 = arith.shrui %parallel_loop3A_142, %parallel_loop3A_192 : vector<16xi32>
        %parallel_loop3A_194 = arith.constant 1 : i32
        %parallel_loop3A_195 = vector.broadcast %parallel_loop3A_194 : i32 to vector<16xi32>
        %parallel_loop3A_196 = arith.andi %parallel_loop3A_193, %parallel_loop3A_195 : vector<16xi32>
        %parallel_loop3A_197 = arith.sitofp %parallel_loop3A_196 : vector<16xi32> to vector<16xf32>
        %parallel_loop3A_198 = arith.constant 16 : i32
        %parallel_loop3A_199 = arith.muli %parallel_loop3A_137, %parallel_loop3A_198 : i32
        %parallel_loop3A_200 = arith.constant 0 : i32
        %parallel_loop3A_201 = arith.constant 3 : i32
        %parallel_loop3A_202 = arith.index_cast %and3A_88 : i32 to index
        %parallel_loop3A_203 = arith.index_cast %parallel_loop3A_200 : i32 to index
        %parallel_loop3A_204 = arith.index_cast %parallel_loop3A_201 : i32 to index
        %parallel_loop3A_205 = arith.index_cast %parallel_loop3A_199 : i32 to index
        %parallel_loop3A_206 = tpu.vector_load %arg5[%parallel_loop3A_202, %parallel_loop3A_203, %parallel_loop3A_204, %parallel_loop3A_205] {strides = array<i32>} : memref<2x2x4x4096xf32, #tpu.memory_space<vmem>>, vector<16xf32>,
        tpu.vector_store %arg5[%parallel_loop3A_202, %parallel_loop3A_203, %parallel_loop3A_204, %parallel_loop3A_205], %parallel_loop3A_197 {strides = array<i32>} : memref<2x2x4x4096xf32, #tpu.memory_space<vmem>>, vector<16xf32>,
        %parallel_loop3A_207 = arith.constant 4 : i32
        %parallel_loop3A_208 = vector.broadcast %parallel_loop3A_207 : i32 to vector<16xi32>
        %parallel_loop3A_209 = arith.shrui %parallel_loop3A_142, %parallel_loop3A_208 : vector<16xi32>
        %parallel_loop3A_210 = arith.constant 1 : i32
        %parallel_loop3A_211 = vector.broadcast %parallel_loop3A_210 : i32 to vector<16xi32>
        %parallel_loop3A_212 = arith.andi %parallel_loop3A_209, %parallel_loop3A_211 : vector<16xi32>
        %parallel_loop3A_213 = arith.sitofp %parallel_loop3A_212 : vector<16xi32> to vector<16xf32>
        %parallel_loop3A_214 = arith.constant 16 : i32
        %parallel_loop3A_215 = arith.muli %parallel_loop3A_137, %parallel_loop3A_214 : i32
        %parallel_loop3A_216 = arith.constant 1 : i32
        %parallel_loop3A_217 = arith.constant 0 : i32
        %parallel_loop3A_218 = arith.index_cast %and3A_88 : i32 to index
        %parallel_loop3A_219 = arith.index_cast %parallel_loop3A_216 : i32 to index
        %parallel_loop3A_220 = arith.index_cast %parallel_loop3A_217 : i32 to index
        %parallel_loop3A_221 = arith.index_cast %parallel_loop3A_215 : i32 to index
        %parallel_loop3A_222 = tpu.vector_load %arg5[%parallel_loop3A_218, %parallel_loop3A_219, %parallel_loop3A_220, %parallel_loop3A_221] {strides = array<i32>} : memref<2x2x4x4096xf32, #tpu.memory_space<vmem>>, vector<16xf32>,
        tpu.vector_store %arg5[%parallel_loop3A_218, %parallel_loop3A_219, %parallel_loop3A_220, %parallel_loop3A_221], %parallel_loop3A_213 {strides = array<i32>} : memref<2x2x4x4096xf32, #tpu.memory_space<vmem>>, vector<16xf32>,
        %parallel_loop3A_223 = arith.constant 5 : i32
        %parallel_loop3A_224 = vector.broadcast %parallel_loop3A_223 : i32 to vector<16xi32>
        %parallel_loop3A_225 = arith.shrui %parallel_loop3A_142, %parallel_loop3A_224 : vector<16xi32>
        %parallel_loop3A_226 = arith.constant 1 : i32
        %parallel_loop3A_227 = vector.broadcast %parallel_loop3A_226 : i32 to vector<16xi32>
        %parallel_loop3A_228 = arith.andi %parallel_loop3A_225, %parallel_loop3A_227 : vector<16xi32>
        %parallel_loop3A_229 = arith.sitofp %parallel_loop3A_228 : vector<16xi32> to vector<16xf32>
        %parallel_loop3A_230 = arith.constant 16 : i32
        %parallel_loop3A_231 = arith.muli %parallel_loop3A_137, %parallel_loop3A_230 : i32
        %parallel_loop3A_232 = arith.constant 1 : i32
        %parallel_loop3A_233 = arith.constant 1 : i32
        %parallel_loop3A_234 = arith.index_cast %and3A_88 : i32 to index
        %parallel_loop3A_235 = arith.index_cast %parallel_loop3A_232 : i32 to index
        %parallel_loop3A_236 = arith.index_cast %parallel_loop3A_233 : i32 to index
        %parallel_loop3A_237 = arith.index_cast %parallel_loop3A_231 : i32 to index
        %parallel_loop3A_238 = tpu.vector_load %arg5[%parallel_loop3A_234, %parallel_loop3A_235, %parallel_loop3A_236, %parallel_loop3A_237] {strides = array<i32>} : memref<2x2x4x4096xf32, #tpu.memory_space<vmem>>, vector<16xf32>,
        tpu.vector_store %arg5[%parallel_loop3A_234, %parallel_loop3A_235, %parallel_loop3A_236, %parallel_loop3A_237], %parallel_loop3A_229 {strides = array<i32>} : memref<2x2x4x4096xf32, #tpu.memory_space<vmem>>, vector<16xf32>,
        %parallel_loop3A_239 = arith.constant 6 : i32
        %parallel_loop3A_240 = vector.broadcast %parallel_loop3A_239 : i32 to vector<16xi32>
        %parallel_loop3A_241 = arith.shrui %parallel_loop3A_142, %parallel_loop3A_240 : vector<16xi32>
        %parallel_loop3A_242 = arith.constant 1 : i32
        %parallel_loop3A_243 = vector.broadcast %parallel_loop3A_242 : i32 to vector<16xi32>
        %parallel_loop3A_244 = arith.andi %parallel_loop3A_241, %parallel_loop3A_243 : vector<16xi32>
        %parallel_loop3A_245 = arith.sitofp %parallel_loop3A_244 : vector<16xi32> to vector<16xf32>
        %parallel_loop3A_246 = arith.constant 16 : i32
        %parallel_loop3A_247 = arith.muli %parallel_loop3A_137, %parallel_loop3A_246 : i32
        %parallel_loop3A_248 = arith.constant 1 : i32
        %parallel_loop3A_249 = arith.constant 2 : i32
        %parallel_loop3A_250 = arith.index_cast %and3A_88 : i32 to index
        %parallel_loop3A_251 = arith.index_cast %parallel_loop3A_248 : i32 to index
        %parallel_loop3A_252 = arith.index_cast %parallel_loop3A_249 : i32 to index
        %parallel_loop3A_253 = arith.index_cast %parallel_loop3A_247 : i32 to index
        %parallel_loop3A_254 = tpu.vector_load %arg5[%parallel_loop3A_250, %parallel_loop3A_251, %parallel_loop3A_252, %parallel_loop3A_253] {strides = array<i32>} : memref<2x2x4x4096xf32, #tpu.memory_space<vmem>>, vector<16xf32>,
        tpu.vector_store %arg5[%parallel_loop3A_250, %parallel_loop3A_251, %parallel_loop3A_252, %parallel_loop3A_253], %parallel_loop3A_245 {strides = array<i32>} : memref<2x2x4x4096xf32, #tpu.memory_space<vmem>>, vector<16xf32>,
        %parallel_loop3A_255 = arith.constant 7 : i32
        %parallel_loop3A_256 = vector.broadcast %parallel_loop3A_255 : i32 to vector<16xi32>
        %parallel_loop3A_257 = arith.shrui %parallel_loop3A_142, %parallel_loop3A_256 : vector<16xi32>
        %parallel_loop3A_258 = arith.constant 1 : i32
        %parallel_loop3A_259 = vector.broadcast %parallel_loop3A_258 : i32 to vector<16xi32>
        %parallel_loop3A_260 = arith.andi %parallel_loop3A_257, %parallel_loop3A_259 : vector<16xi32>
        %parallel_loop3A_261 = arith.sitofp %parallel_loop3A_260 : vector<16xi32> to vector<16xf32>
        %parallel_loop3A_262 = arith.constant 16 : i32
        %parallel_loop3A_263 = arith.muli %parallel_loop3A_137, %parallel_loop3A_262 : i32
        %parallel_loop3A_264 = arith.constant 1 : i32
        %parallel_loop3A_265 = arith.constant 3 : i32
        %parallel_loop3A_266 = arith.index_cast %and3A_88 : i32 to index
        %parallel_loop3A_267 = arith.index_cast %parallel_loop3A_264 : i32 to index
        %parallel_loop3A_268 = arith.index_cast %parallel_loop3A_265 : i32 to index
        %parallel_loop3A_269 = arith.index_cast %parallel_loop3A_263 : i32 to index
        %parallel_loop3A_270 = tpu.vector_load %arg5[%parallel_loop3A_266, %parallel_loop3A_267, %parallel_loop3A_268, %parallel_loop3A_269] {strides = array<i32>} : memref<2x2x4x4096xf32, #tpu.memory_space<vmem>>, vector<16xf32>,
        tpu.vector_store %arg5[%parallel_loop3A_266, %parallel_loop3A_267, %parallel_loop3A_268, %parallel_loop3A_269], %parallel_loop3A_261 {strides = array<i32>} : memref<2x2x4x4096xf32, #tpu.memory_space<vmem>>, vector<16xf32>,
      } {sc.loop_unroll_factor = 8 : i64, sc.parallel_access}
      %add3A_114 = arith.addi %add3A_4, %while3A_86 : i32
      %dma_start3A_115 = arith.constant 0 : i32
      %dma_start3A_116 = arith.constant 0 : i32
      %dma_start3A_117 = arith.constant 0 : i32
      %dma_start3A_118 = tpu.memref_slice %arg5[%and3A_88, %dma_start3A_115, %dma_start3A_116, %dma_start3A_117] : memref<2x2x4x4096xf32, #tpu.memory_space<vmem>> -> memref<1x2x4x4096xf32, #tpu.memory_space<vmem>>
      %dma_start3A_119 = tpu.memref_squeeze %dma_start3A_118 : memref<1x2x4x4096xf32, #tpu.memory_space<vmem>> -> memref<2x4x4096xf32, #tpu.memory_space<vmem>>
      %dma_start3A_120 = arith.constant 0 : i32
      %dma_start3A_121 = arith.constant 0 : i32
      %dma_start3A_122 = arith.constant 0 : i32
      %dma_start3A_123 = tpu.memref_slice %arg3[%add3A_114, %dma_start3A_120, %dma_start3A_121, %dma_start3A_122] : memref<1000x2x4x4096xf32, #tpu.memory_space<hbm>> -> memref<1x2x4x4096xf32, #tpu.memory_space<hbm>>
      %dma_start3A_124 = tpu.memref_squeeze %dma_start3A_123 : memref<1x2x4x4096xf32, #tpu.memory_space<hbm>> -> memref<2x4x4096xf32, #tpu.memory_space<hbm>>
      %dma_start3A_125 = tpu.memref_slice %arg7[%and3A_88] : memref<2x!tpu.dma_semaphore, #tpu.memory_space<semaphore_mem>> -> memref<1x!tpu.dma_semaphore, #tpu.memory_space<semaphore_mem>>
      %dma_start3A_126 = tpu.memref_squeeze %dma_start3A_125 : memref<1x!tpu.dma_semaphore, #tpu.memory_space<semaphore_mem>> -> memref<!tpu.dma_semaphore, #tpu.memory_space<semaphore_mem>>
      %dma_start3A_127 = arith.constant 0 : i32
      %dma_start3A_128 = arith.constant 0 : i32
      %dma_start3A_129 = arith.constant 0 : i32
      %dma_start3A_130 = tpu.memref_slice %arg3[%add3A_114, %dma_start3A_127, %dma_start3A_128, %dma_start3A_129] : memref<1000x2x4x4096xf32, #tpu.memory_space<hbm>> -> memref<1x2x4x4096xf32, #tpu.memory_space<hbm>>
      %dma_start3A_131 = tpu.memref_squeeze %dma_start3A_130 : memref<1x2x4x4096xf32, #tpu.memory_space<hbm>> -> memref<2x4x4096xf32, #tpu.memory_space<hbm>>
      %dma_start3A_132 = arith.constant 0 : i32
      %dma_start3A_133 = arith.constant 0 : i32
      %dma_start3A_134 = arith.constant 0 : i32
      %dma_start3A_135 = tpu.memref_slice %arg5[%and3A_88, %dma_start3A_132, %dma_start3A_133, %dma_start3A_134] : memref<2x2x4x4096xf32, #tpu.memory_space<vmem>> -> memref<1x2x4x4096xf32, #tpu.memory_space<vmem>>
      %dma_start3A_136 = tpu.memref_squeeze %dma_start3A_135 : memref<1x2x4x4096xf32, #tpu.memory_space<vmem>> -> memref<2x4x4096xf32, #tpu.memory_space<vmem>>
      tpu.enqueue_dma source(%dma_start3A_136 : memref<2x4x4096xf32, #tpu.memory_space<vmem>>) target(%dma_start3A_131 : memref<2x4x4096xf32, #tpu.memory_space<hbm>>) target_semaphore(%dma_start3A_126 : memref<!tpu.dma_semaphore, #tpu.memory_space<semaphore_mem>>)
    }
    %while3A_32 = arith.constant 1 : i32
    scf.for %while3A_86 = %while3A_30 to %while3A_26 step %while3A_32  : i32 {
      %and3A_87 = arith.constant 1 : i32
      %and3A_88 = arith.andi %while3A_86, %and3A_87 : i32
      %add3A_89 = arith.constant 1 : i32
      %add3A_90 = arith.addi %while3A_86, %add3A_89 : i32
      %lt3A_91 = arith.cmpi slt, %add3A_90, %select_n3A : i32
      %convert_element_type3A = arith.extui %lt3A_91 : i1 to i32
      %cond3A = arith.constant 0 : i32
      %cond3A_92 = arith.cmpi ne, %convert_element_type3A, %cond3A : i32
      scf.if %cond3A_92 {
        %add3A_137 = arith.constant 1 : i32
        %add3A_138 = arith.addi %while3A_86, %add3A_137 : i32
        %sub3A_139 = arith.constant 1 : i32
        %sub3A_140 = arith.subi %sub3A_139, %and3A_88 : i32
        %add3A_141 = arith.addi %add3A_4, %add3A_138 : i32
        %dma_start3A_142 = arith.constant 0 : i32
        %dma_start3A_143 = tpu.memref_slice %arg4[%sub3A_140, %dma_start3A_142] : memref<2x4096xi32, #tpu.memory_space<vmem>> -> memref<1x4096xi32, #tpu.memory_space<vmem>>
        %dma_start3A_144 = tpu.memref_squeeze %dma_start3A_143 : memref<1x4096xi32, #tpu.memory_space<vmem>> -> memref<4096xi32, #tpu.memory_space<vmem>>
        %dma_start3A_145 = arith.constant 0 : i32
        %dma_start3A_146 = tpu.memref_slice %arg2[%add3A_141, %dma_start3A_145] : memref<1000x4096xi32, #tpu.memory_space<hbm>> -> memref<1x4096xi32, #tpu.memory_space<hbm>>
        %dma_start3A_147 = tpu.memref_squeeze %dma_start3A_146 : memref<1x4096xi32, #tpu.memory_space<hbm>> -> memref<4096xi32, #tpu.memory_space<hbm>>
        %dma_start3A_148 = tpu.memref_slice %arg6[%sub3A_140] : memref<2x!tpu.dma_semaphore, #tpu.memory_space<semaphore_mem>> -> memref<1x!tpu.dma_semaphore, #tpu.memory_space<semaphore_mem>>
        %dma_start3A_149 = tpu.memref_squeeze %dma_start3A_148 : memref<1x!tpu.dma_semaphore, #tpu.memory_space<semaphore_mem>> -> memref<!tpu.dma_semaphore, #tpu.memory_space<semaphore_mem>>
        %dma_start3A_150 = arith.constant 0 : i32
        %dma_start3A_151 = tpu.memref_slice %arg4[%sub3A_140, %dma_start3A_150] : memref<2x4096xi32, #tpu.memory_space<vmem>> -> memref<1x4096xi32, #tpu.memory_space<vmem>>
        %dma_start3A_152 = tpu.memref_squeeze %dma_start3A_151 : memref<1x4096xi32, #tpu.memory_space<vmem>> -> memref<4096xi32, #tpu.memory_space<vmem>>
        %dma_start3A_153 = arith.constant 0 : i32
        %dma_start3A_154 = tpu.memref_slice %arg2[%add3A_141, %dma_start3A_153] : memref<1000x4096xi32, #tpu.memory_space<hbm>> -> memref<1x4096xi32, #tpu.memory_space<hbm>>
        %dma_start3A_155 = tpu.memref_squeeze %dma_start3A_154 : memref<1x4096xi32, #tpu.memory_space<hbm>> -> memref<4096xi32, #tpu.memory_space<hbm>>
        tpu.enqueue_dma source(%dma_start3A_155 : memref<4096xi32, #tpu.memory_space<hbm>>) target(%dma_start3A_152 : memref<4096xi32, #tpu.memory_space<vmem>>) target_semaphore(%dma_start3A_149 : memref<!tpu.dma_semaphore, #tpu.memory_space<semaphore_mem>>)
      } else {
      }
      %ge3A = arith.constant 2 : i32
      %ge3A_93 = arith.cmpi sge, %while3A_86, %ge3A : i32
      %convert_element_type3A_94 = arith.extui %ge3A_93 : i1 to i32
      %cond3A_95 = arith.constant 0 : i32
      %cond3A_96 = arith.cmpi ne, %convert_element_type3A_94, %cond3A_95 : i32
      scf.if %cond3A_96 {
        %sub3A_137 = arith.constant 2 : i32
        %sub3A_138 = arith.subi %while3A_86, %sub3A_137 : i32
        %add3A_139 = arith.addi %add3A_4, %sub3A_138 : i32
        %dma_wait3A_140 = arith.constant 0 : i32
        %dma_wait3A_141 = arith.constant 0 : i32
        %dma_wait3A_142 = arith.constant 0 : i32
        %dma_wait3A_143 = tpu.memref_slice %arg5[%and3A_88, %dma_wait3A_140, %dma_wait3A_141, %dma_wait3A_142] : memref<2x2x4x4096xf32, #tpu.memory_space<vmem>> -> memref<1x2x4x4096xf32, #tpu.memory_space<vmem>>
        %dma_wait3A_144 = tpu.memref_squeeze %dma_wait3A_143 : memref<1x2x4x4096xf32, #tpu.memory_space<vmem>> -> memref<2x4x4096xf32, #tpu.memory_space<vmem>>
        %dma_wait3A_145 = arith.constant 0 : i32
        %dma_wait3A_146 = arith.constant 0 : i32
        %dma_wait3A_147 = arith.constant 0 : i32
        %dma_wait3A_148 = tpu.memref_slice %arg3[%add3A_139, %dma_wait3A_145, %dma_wait3A_146, %dma_wait3A_147] : memref<1000x2x4x4096xf32, #tpu.memory_space<hbm>> -> memref<1x2x4x4096xf32, #tpu.memory_space<hbm>>
        %dma_wait3A_149 = tpu.memref_squeeze %dma_wait3A_148 : memref<1x2x4x4096xf32, #tpu.memory_space<hbm>> -> memref<2x4x4096xf32, #tpu.memory_space<hbm>>
        %dma_wait3A_150 = tpu.memref_slice %arg7[%and3A_88] : memref<2x!tpu.dma_semaphore, #tpu.memory_space<semaphore_mem>> -> memref<1x!tpu.dma_semaphore, #tpu.memory_space<semaphore_mem>>
        %dma_wait3A_151 = tpu.memref_squeeze %dma_wait3A_150 : memref<1x!tpu.dma_semaphore, #tpu.memory_space<semaphore_mem>> -> memref<!tpu.dma_semaphore, #tpu.memory_space<semaphore_mem>>
        %dma_wait3A_152 = arith.constant 0 : i32
        %dma_wait3A_153 = arith.constant 0 : i32
        %dma_wait3A_154 = arith.constant 0 : i32
        %dma_wait3A_155 = tpu.memref_slice %arg3[%add3A_139, %dma_wait3A_152, %dma_wait3A_153, %dma_wait3A_154] : memref<1000x2x4x4096xf32, #tpu.memory_space<hbm>> -> memref<1x2x4x4096xf32, #tpu.memory_space<hbm>>
        %dma_wait3A_156 = tpu.memref_squeeze %dma_wait3A_155 : memref<1x2x4x4096xf32, #tpu.memory_space<hbm>> -> memref<2x4x4096xf32, #tpu.memory_space<hbm>>
        %dma_wait3A_157 = arith.constant 0 : i32
        %dma_wait3A_158 = arith.constant 0 : i32
        %dma_wait3A_159 = arith.constant 0 : i32
        %dma_wait3A_160 = tpu.memref_slice %arg5[%and3A_88, %dma_wait3A_157, %dma_wait3A_158, %dma_wait3A_159] : memref<2x2x4x4096xf32, #tpu.memory_space<vmem>> -> memref<1x2x4x4096xf32, #tpu.memory_space<vmem>>
        %dma_wait3A_161 = tpu.memref_squeeze %dma_wait3A_160 : memref<1x2x4x4096xf32, #tpu.memory_space<vmem>> -> memref<2x4x4096xf32, #tpu.memory_space<vmem>>
        tpu.wait_dma2 semaphore(%dma_wait3A_151 : memref<!tpu.dma_semaphore, #tpu.memory_space<semaphore_mem>>) src(%dma_wait3A_161 : memref<2x4x4096xf32, #tpu.memory_space<vmem>>) dst(%dma_wait3A_156 : memref<2x4x4096xf32, #tpu.memory_space<hbm>>)
      } else {
      }
      %add3A_97 = arith.addi %add3A_4, %while3A_86 : i32
      %dma_wait3A_98 = arith.constant 0 : i32
      %dma_wait3A_99 = tpu.memref_slice %arg4[%and3A_88, %dma_wait3A_98] : memref<2x4096xi32, #tpu.memory_space<vmem>> -> memref<1x4096xi32, #tpu.memory_space<vmem>>
      %dma_wait3A_100 = tpu.memref_squeeze %dma_wait3A_99 : memref<1x4096xi32, #tpu.memory_space<vmem>> -> memref<4096xi32, #tpu.memory_space<vmem>>
      %dma_wait3A_101 = arith.constant 0 : i32
      %dma_wait3A_102 = tpu.memref_slice %arg2[%add3A_97, %dma_wait3A_101] : memref<1000x4096xi32, #tpu.memory_space<hbm>> -> memref<1x4096xi32, #tpu.memory_space<hbm>>
      %dma_wait3A_103 = tpu.memref_squeeze %dma_wait3A_102 : memref<1x4096xi32, #tpu.memory_space<hbm>> -> memref<4096xi32, #tpu.memory_space<hbm>>
      %dma_wait3A_104 = tpu.memref_slice %arg6[%and3A_88] : memref<2x!tpu.dma_semaphore, #tpu.memory_space<semaphore_mem>> -> memref<1x!tpu.dma_semaphore, #tpu.memory_space<semaphore_mem>>
      %dma_wait3A_105 = tpu.memref_squeeze %dma_wait3A_104 : memref<1x!tpu.dma_semaphore, #tpu.memory_space<semaphore_mem>> -> memref<!tpu.dma_semaphore, #tpu.memory_space<semaphore_mem>>
      %dma_wait3A_106 = arith.constant 0 : i32
      %dma_wait3A_107 = tpu.memref_slice %arg4[%and3A_88, %dma_wait3A_106] : memref<2x4096xi32, #tpu.memory_space<vmem>> -> memref<1x4096xi32, #tpu.memory_space<vmem>>
      %dma_wait3A_108 = tpu.memref_squeeze %dma_wait3A_107 : memref<1x4096xi32, #tpu.memory_space<vmem>> -> memref<4096xi32, #tpu.memory_space<vmem>>
      %dma_wait3A_109 = arith.constant 0 : i32
      %dma_wait3A_110 = tpu.memref_slice %arg2[%add3A_97, %dma_wait3A_109] : memref<1000x4096xi32, #tpu.memory_space<hbm>> -> memref<1x4096xi32, #tpu.memory_space<hbm>>
      %dma_wait3A_111 = tpu.memref_squeeze %dma_wait3A_110 : memref<1x4096xi32, #tpu.memory_space<hbm>> -> memref<4096xi32, #tpu.memory_space<hbm>>
      tpu.wait_dma2 semaphore(%dma_wait3A_105 : memref<!tpu.dma_semaphore, #tpu.memory_space<semaphore_mem>>) src(%dma_wait3A_111 : memref<4096xi32, #tpu.memory_space<hbm>>) dst(%dma_wait3A_108 : memref<4096xi32, #tpu.memory_space<vmem>>)
      %parallel_loop3A = arith.constant 0 : i32
      %parallel_loop3A_112 = arith.constant 256 : i32
      %parallel_loop3A_113 = arith.constant 1 : i32
      scf.for %parallel_loop3A_137 = %parallel_loop3A to %parallel_loop3A_112 step %parallel_loop3A_113  : i32 {
        %parallel_loop3A_138 = arith.constant 16 : i32
        %parallel_loop3A_139 = arith.muli %parallel_loop3A_137, %parallel_loop3A_138 : i32
        %parallel_loop3A_140 = arith.index_cast %and3A_88 : i32 to index
        %parallel_loop3A_141 = arith.index_cast %parallel_loop3A_139 : i32 to index
        %parallel_loop3A_142 = tpu.vector_load %arg4[%parallel_loop3A_140, %parallel_loop3A_141] {strides = array<i32>} : memref<2x4096xi32, #tpu.memory_space<vmem>>, vector<16xi32>,
        %parallel_loop3A_143 = arith.constant 0 : i32
        %parallel_loop3A_144 = vector.broadcast %parallel_loop3A_143 : i32 to vector<16xi32>
        %parallel_loop3A_145 = arith.shrui %parallel_loop3A_142, %parallel_loop3A_144 : vector<16xi32>
        %parallel_loop3A_146 = arith.constant 1 : i32
        %parallel_loop3A_147 = vector.broadcast %parallel_loop3A_146 : i32 to vector<16xi32>
        %parallel_loop3A_148 = arith.andi %parallel_loop3A_145, %parallel_loop3A_147 : vector<16xi32>
        %parallel_loop3A_149 = arith.sitofp %parallel_loop3A_148 : vector<16xi32> to vector<16xf32>
        %parallel_loop3A_150 = arith.constant 16 : i32
        %parallel_loop3A_151 = arith.muli %parallel_loop3A_137, %parallel_loop3A_150 : i32
        %parallel_loop3A_152 = arith.constant 0 : i32
        %parallel_loop3A_153 = arith.constant 0 : i32
        %parallel_loop3A_154 = arith.index_cast %and3A_88 : i32 to index
        %parallel_loop3A_155 = arith.index_cast %parallel_loop3A_152 : i32 to index
        %parallel_loop3A_156 = arith.index_cast %parallel_loop3A_153 : i32 to index
        %parallel_loop3A_157 = arith.index_cast %parallel_loop3A_151 : i32 to index
        %parallel_loop3A_158 = tpu.vector_load %arg5[%parallel_loop3A_154, %parallel_loop3A_155, %parallel_loop3A_156, %parallel_loop3A_157] {strides = array<i32>} : memref<2x2x4x4096xf32, #tpu.memory_space<vmem>>, vector<16xf32>,
        tpu.vector_store %arg5[%parallel_loop3A_154, %parallel_loop3A_155, %parallel_loop3A_156, %parallel_loop3A_157], %parallel_loop3A_149 {strides = array<i32>} : memref<2x2x4x4096xf32, #tpu.memory_space<vmem>>, vector<16xf32>,
        %parallel_loop3A_159 = arith.constant 1 : i32
        %parallel_loop3A_160 = vector.broadcast %parallel_loop3A_159 : i32 to vector<16xi32>
        %parallel_loop3A_161 = arith.shrui %parallel_loop3A_142, %parallel_loop3A_160 : vector<16xi32>
        %parallel_loop3A_162 = arith.constant 1 : i32
        %parallel_loop3A_163 = vector.broadcast %parallel_loop3A_162 : i32 to vector<16xi32>
        %parallel_loop3A_164 = arith.andi %parallel_loop3A_161, %parallel_loop3A_163 : vector<16xi32>
        %parallel_loop3A_165 = arith.sitofp %parallel_loop3A_164 : vector<16xi32> to vector<16xf32>
        %parallel_loop3A_166 = arith.constant 16 : i32
        %parallel_loop3A_167 = arith.muli %parallel_loop3A_137, %parallel_loop3A_166 : i32
        %parallel_loop3A_168 = arith.constant 0 : i32
        %parallel_loop3A_169 = arith.constant 1 : i32
        %parallel_loop3A_170 = arith.index_cast %and3A_88 : i32 to index
        %parallel_loop3A_171 = arith.index_cast %parallel_loop3A_168 : i32 to index
        %parallel_loop3A_172 = arith.index_cast %parallel_loop3A_169 : i32 to index
        %parallel_loop3A_173 = arith.index_cast %parallel_loop3A_167 : i32 to index
        %parallel_loop3A_174 = tpu.vector_load %arg5[%parallel_loop3A_170, %parallel_loop3A_171, %parallel_loop3A_172, %parallel_loop3A_173] {strides = array<i32>} : memref<2x2x4x4096xf32, #tpu.memory_space<vmem>>, vector<16xf32>,
        tpu.vector_store %arg5[%parallel_loop3A_170, %parallel_loop3A_171, %parallel_loop3A_172, %parallel_loop3A_173], %parallel_loop3A_165 {strides = array<i32>} : memref<2x2x4x4096xf32, #tpu.memory_space<vmem>>, vector<16xf32>,
        %parallel_loop3A_175 = arith.constant 2 : i32
        %parallel_loop3A_176 = vector.broadcast %parallel_loop3A_175 : i32 to vector<16xi32>
        %parallel_loop3A_177 = arith.shrui %parallel_loop3A_142, %parallel_loop3A_176 : vector<16xi32>
        %parallel_loop3A_178 = arith.constant 1 : i32
        %parallel_loop3A_179 = vector.broadcast %parallel_loop3A_178 : i32 to vector<16xi32>
        %parallel_loop3A_180 = arith.andi %parallel_loop3A_177, %parallel_loop3A_179 : vector<16xi32>
        %parallel_loop3A_181 = arith.sitofp %parallel_loop3A_180 : vector<16xi32> to vector<16xf32>
        %parallel_loop3A_182 = arith.constant 16 : i32
        %parallel_loop3A_183 = arith.muli %parallel_loop3A_137, %parallel_loop3A_182 : i32
        %parallel_loop3A_184 = arith.constant 0 : i32
        %parallel_loop3A_185 = arith.constant 2 : i32
        %parallel_loop3A_186 = arith.index_cast %and3A_88 : i32 to index
        %parallel_loop3A_187 = arith.index_cast %parallel_loop3A_184 : i32 to index
        %parallel_loop3A_188 = arith.index_cast %parallel_loop3A_185 : i32 to index
        %parallel_loop3A_189 = arith.index_cast %parallel_loop3A_183 : i32 to index
        %parallel_loop3A_190 = tpu.vector_load %arg5[%parallel_loop3A_186, %parallel_loop3A_187, %parallel_loop3A_188, %parallel_loop3A_189] {strides = array<i32>} : memref<2x2x4x4096xf32, #tpu.memory_space<vmem>>, vector<16xf32>,
        tpu.vector_store %arg5[%parallel_loop3A_186, %parallel_loop3A_187, %parallel_loop3A_188, %parallel_loop3A_189], %parallel_loop3A_181 {strides = array<i32>} : memref<2x2x4x4096xf32, #tpu.memory_space<vmem>>, vector<16xf32>,
        %parallel_loop3A_191 = arith.constant 3 : i32
        %parallel_loop3A_192 = vector.broadcast %parallel_loop3A_191 : i32 to vector<16xi32>
        %parallel_loop3A_193 = arith.shrui %parallel_loop3A_142, %parallel_loop3A_192 : vector<16xi32>
        %parallel_loop3A_194 = arith.constant 1 : i32
        %parallel_loop3A_195 = vector.broadcast %parallel_loop3A_194 : i32 to vector<16xi32>
        %parallel_loop3A_196 = arith.andi %parallel_loop3A_193, %parallel_loop3A_195 : vector<16xi32>
        %parallel_loop3A_197 = arith.sitofp %parallel_loop3A_196 : vector<16xi32> to vector<16xf32>
        %parallel_loop3A_198 = arith.constant 16 : i32
        %parallel_loop3A_199 = arith.muli %parallel_loop3A_137, %parallel_loop3A_198 : i32
        %parallel_loop3A_200 = arith.constant 0 : i32
        %parallel_loop3A_201 = arith.constant 3 : i32
        %parallel_loop3A_202 = arith.index_cast %and3A_88 : i32 to index
        %parallel_loop3A_203 = arith.index_cast %parallel_loop3A_200 : i32 to index
        %parallel_loop3A_204 = arith.index_cast %parallel_loop3A_201 : i32 to index
        %parallel_loop3A_205 = arith.index_cast %parallel_loop3A_199 : i32 to index
        %parallel_loop3A_206 = tpu.vector_load %arg5[%parallel_loop3A_202, %parallel_loop3A_203, %parallel_loop3A_204, %parallel_loop3A_205] {strides = array<i32>} : memref<2x2x4x4096xf32, #tpu.memory_space<vmem>>, vector<16xf32>,
        tpu.vector_store %arg5[%parallel_loop3A_202, %parallel_loop3A_203, %parallel_loop3A_204, %parallel_loop3A_205], %parallel_loop3A_197 {strides = array<i32>} : memref<2x2x4x4096xf32, #tpu.memory_space<vmem>>, vector<16xf32>,
        %parallel_loop3A_207 = arith.constant 4 : i32
        %parallel_loop3A_208 = vector.broadcast %parallel_loop3A_207 : i32 to vector<16xi32>
        %parallel_loop3A_209 = arith.shrui %parallel_loop3A_142, %parallel_loop3A_208 : vector<16xi32>
        %parallel_loop3A_210 = arith.constant 1 : i32
        %parallel_loop3A_211 = vector.broadcast %parallel_loop3A_210 : i32 to vector<16xi32>
        %parallel_loop3A_212 = arith.andi %parallel_loop3A_209, %parallel_loop3A_211 : vector<16xi32>
        %parallel_loop3A_213 = arith.sitofp %parallel_loop3A_212 : vector<16xi32> to vector<16xf32>
        %parallel_loop3A_214 = arith.constant 16 : i32
        %parallel_loop3A_215 = arith.muli %parallel_loop3A_137, %parallel_loop3A_214 : i32
        %parallel_loop3A_216 = arith.constant 1 : i32
        %parallel_loop3A_217 = arith.constant 0 : i32
        %parallel_loop3A_218 = arith.index_cast %and3A_88 : i32 to index
        %parallel_loop3A_219 = arith.index_cast %parallel_loop3A_216 : i32 to index
        %parallel_loop3A_220 = arith.index_cast %parallel_loop3A_217 : i32 to index
        %parallel_loop3A_221 = arith.index_cast %parallel_loop3A_215 : i32 to index
        %parallel_loop3A_222 = tpu.vector_load %arg5[%parallel_loop3A_218, %parallel_loop3A_219, %parallel_loop3A_220, %parallel_loop3A_221] {strides = array<i32>} : memref<2x2x4x4096xf32, #tpu.memory_space<vmem>>, vector<16xf32>,
        tpu.vector_store %arg5[%parallel_loop3A_218, %parallel_loop3A_219, %parallel_loop3A_220, %parallel_loop3A_221], %parallel_loop3A_213 {strides = array<i32>} : memref<2x2x4x4096xf32, #tpu.memory_space<vmem>>, vector<16xf32>,
        %parallel_loop3A_223 = arith.constant 5 : i32
        %parallel_loop3A_224 = vector.broadcast %parallel_loop3A_223 : i32 to vector<16xi32>
        %parallel_loop3A_225 = arith.shrui %parallel_loop3A_142, %parallel_loop3A_224 : vector<16xi32>
        %parallel_loop3A_226 = arith.constant 1 : i32
        %parallel_loop3A_227 = vector.broadcast %parallel_loop3A_226 : i32 to vector<16xi32>
        %parallel_loop3A_228 = arith.andi %parallel_loop3A_225, %parallel_loop3A_227 : vector<16xi32>
        %parallel_loop3A_229 = arith.sitofp %parallel_loop3A_228 : vector<16xi32> to vector<16xf32>
        %parallel_loop3A_230 = arith.constant 16 : i32
        %parallel_loop3A_231 = arith.muli %parallel_loop3A_137, %parallel_loop3A_230 : i32
        %parallel_loop3A_232 = arith.constant 1 : i32
        %parallel_loop3A_233 = arith.constant 1 : i32
        %parallel_loop3A_234 = arith.index_cast %and3A_88 : i32 to index
        %parallel_loop3A_235 = arith.index_cast %parallel_loop3A_232 : i32 to index
        %parallel_loop3A_236 = arith.index_cast %parallel_loop3A_233 : i32 to index
        %parallel_loop3A_237 = arith.index_cast %parallel_loop3A_231 : i32 to index
        %parallel_loop3A_238 = tpu.vector_load %arg5[%parallel_loop3A_234, %parallel_loop3A_235, %parallel_loop3A_236, %parallel_loop3A_237] {strides = array<i32>} : memref<2x2x4x4096xf32, #tpu.memory_space<vmem>>, vector<16xf32>,
        tpu.vector_store %arg5[%parallel_loop3A_234, %parallel_loop3A_235, %parallel_loop3A_236, %parallel_loop3A_237], %parallel_loop3A_229 {strides = array<i32>} : memref<2x2x4x4096xf32, #tpu.memory_space<vmem>>, vector<16xf32>,
        %parallel_loop3A_239 = arith.constant 6 : i32
        %parallel_loop3A_240 = vector.broadcast %parallel_loop3A_239 : i32 to vector<16xi32>
        %parallel_loop3A_241 = arith.shrui %parallel_loop3A_142, %parallel_loop3A_240 : vector<16xi32>
        %parallel_loop3A_242 = arith.constant 1 : i32
        %parallel_loop3A_243 = vector.broadcast %parallel_loop3A_242 : i32 to vector<16xi32>
        %parallel_loop3A_244 = arith.andi %parallel_loop3A_241, %parallel_loop3A_243 : vector<16xi32>
        %parallel_loop3A_245 = arith.sitofp %parallel_loop3A_244 : vector<16xi32> to vector<16xf32>
        %parallel_loop3A_246 = arith.constant 16 : i32
        %parallel_loop3A_247 = arith.muli %parallel_loop3A_137, %parallel_loop3A_246 : i32
        %parallel_loop3A_248 = arith.constant 1 : i32
        %parallel_loop3A_249 = arith.constant 2 : i32
        %parallel_loop3A_250 = arith.index_cast %and3A_88 : i32 to index
        %parallel_loop3A_251 = arith.index_cast %parallel_loop3A_248 : i32 to index
        %parallel_loop3A_252 = arith.index_cast %parallel_loop3A_249 : i32 to index
        %parallel_loop3A_253 = arith.index_cast %parallel_loop3A_247 : i32 to index
        %parallel_loop3A_254 = tpu.vector_load %arg5[%parallel_loop3A_250, %parallel_loop3A_251, %parallel_loop3A_252, %parallel_loop3A_253] {strides = array<i32>} : memref<2x2x4x4096xf32, #tpu.memory_space<vmem>>, vector<16xf32>,
        tpu.vector_store %arg5[%parallel_loop3A_250, %parallel_loop3A_251, %parallel_loop3A_252, %parallel_loop3A_253], %parallel_loop3A_245 {strides = array<i32>} : memref<2x2x4x4096xf32, #tpu.memory_space<vmem>>, vector<16xf32>,
        %parallel_loop3A_255 = arith.constant 7 : i32
        %parallel_loop3A_256 = vector.broadcast %parallel_loop3A_255 : i32 to vector<16xi32>
        %parallel_loop3A_257 = arith.shrui %parallel_loop3A_142, %parallel_loop3A_256 : vector<16xi32>
        %parallel_loop3A_258 = arith.constant 1 : i32
        %parallel_loop3A_259 = vector.broadcast %parallel_loop3A_258 : i32 to vector<16xi32>
        %parallel_loop3A_260 = arith.andi %parallel_loop3A_257, %parallel_loop3A_259 : vector<16xi32>
        %parallel_loop3A_261 = arith.sitofp %parallel_loop3A_260 : vector<16xi32> to vector<16xf32>
        %parallel_loop3A_262 = arith.constant 16 : i32
        %parallel_loop3A_263 = arith.muli %parallel_loop3A_137, %parallel_loop3A_262 : i32
        %parallel_loop3A_264 = arith.constant 1 : i32
        %parallel_loop3A_265 = arith.constant 3 : i32
        %parallel_loop3A_266 = arith.index_cast %and3A_88 : i32 to index
        %parallel_loop3A_267 = arith.index_cast %parallel_loop3A_264 : i32 to index
        %parallel_loop3A_268 = arith.index_cast %parallel_loop3A_265 : i32 to index
        %parallel_loop3A_269 = arith.index_cast %parallel_loop3A_263 : i32 to index
        %parallel_loop3A_270 = tpu.vector_load %arg5[%parallel_loop3A_266, %parallel_loop3A_267, %parallel_loop3A_268, %parallel_loop3A_269] {strides = array<i32>} : memref<2x2x4x4096xf32, #tpu.memory_space<vmem>>, vector<16xf32>,
        tpu.vector_store %arg5[%parallel_loop3A_266, %parallel_loop3A_267, %parallel_loop3A_268, %parallel_loop3A_269], %parallel_loop3A_261 {strides = array<i32>} : memref<2x2x4x4096xf32, #tpu.memory_space<vmem>>, vector<16xf32>,
      } {sc.loop_unroll_factor = 8 : i64, sc.parallel_access}
      %add3A_114 = arith.addi %add3A_4, %while3A_86 : i32
      %dma_start3A_115 = arith.constant 0 : i32
      %dma_start3A_116 = arith.constant 0 : i32
      %dma_start3A_117 = arith.constant 0 : i32
      %dma_start3A_118 = tpu.memref_slice %arg5[%and3A_88, %dma_start3A_115, %dma_start3A_116, %dma_start3A_117] : memref<2x2x4x4096xf32, #tpu.memory_space<vmem>> -> memref<1x2x4x4096xf32, #tpu.memory_space<vmem>>
      %dma_start3A_119 = tpu.memref_squeeze %dma_start3A_118 : memref<1x2x4x4096xf32, #tpu.memory_space<vmem>> -> memref<2x4x4096xf32, #tpu.memory_space<vmem>>
      %dma_start3A_120 = arith.constant 0 : i32
      %dma_start3A_121 = arith.constant 0 : i32
      %dma_start3A_122 = arith.constant 0 : i32
      %dma_start3A_123 = tpu.memref_slice %arg3[%add3A_114, %dma_start3A_120, %dma_start3A_121, %dma_start3A_122] : memref<1000x2x4x4096xf32, #tpu.memory_space<hbm>> -> memref<1x2x4x4096xf32, #tpu.memory_space<hbm>>
      %dma_start3A_124 = tpu.memref_squeeze %dma_start3A_123 : memref<1x2x4x4096xf32, #tpu.memory_space<hbm>> -> memref<2x4x4096xf32, #tpu.memory_space<hbm>>
      %dma_start3A_125 = tpu.memref_slice %arg7[%and3A_88] : memref<2x!tpu.dma_semaphore, #tpu.memory_space<semaphore_mem>> -> memref<1x!tpu.dma_semaphore, #tpu.memory_space<semaphore_mem>>
      %dma_start3A_126 = tpu.memref_squeeze %dma_start3A_125 : memref<1x!tpu.dma_semaphore, #tpu.memory_space<semaphore_mem>> -> memref<!tpu.dma_semaphore, #tpu.memory_space<semaphore_mem>>
      %dma_start3A_127 = arith.constant 0 : i32
      %dma_start3A_128 = arith.constant 0 : i32
      %dma_start3A_129 = arith.constant 0 : i32
      %dma_start3A_130 = tpu.memref_slice %arg3[%add3A_114, %dma_start3A_127, %dma_start3A_128, %dma_start3A_129] : memref<1000x2x4x4096xf32, #tpu.memory_space<hbm>> -> memref<1x2x4x4096xf32, #tpu.memory_space<hbm>>
      %dma_start3A_131 = tpu.memref_squeeze %dma_start3A_130 : memref<1x2x4x4096xf32, #tpu.memory_space<hbm>> -> memref<2x4x4096xf32, #tpu.memory_space<hbm>>
      %dma_start3A_132 = arith.constant 0 : i32
      %dma_start3A_133 = arith.constant 0 : i32
      %dma_start3A_134 = arith.constant 0 : i32
      %dma_start3A_135 = tpu.memref_slice %arg5[%and3A_88, %dma_start3A_132, %dma_start3A_133, %dma_start3A_134] : memref<2x2x4x4096xf32, #tpu.memory_space<vmem>> -> memref<1x2x4x4096xf32, #tpu.memory_space<vmem>>
      %dma_start3A_136 = tpu.memref_squeeze %dma_start3A_135 : memref<1x2x4x4096xf32, #tpu.memory_space<vmem>> -> memref<2x4x4096xf32, #tpu.memory_space<vmem>>
      tpu.enqueue_dma source(%dma_start3A_136 : memref<2x4x4096xf32, #tpu.memory_space<vmem>>) target(%dma_start3A_131 : memref<2x4x4096xf32, #tpu.memory_space<hbm>>) target_semaphore(%dma_start3A_126 : memref<!tpu.dma_semaphore, #tpu.memory_space<semaphore_mem>>)
    }
    %sub3A = arith.constant 2 : i32
    %sub3A_33 = arith.subi %select_n3A, %sub3A : i32
    %and3A = arith.constant 1 : i32
    %and3A_34 = arith.andi %select_n3A, %and3A : i32
    %add3A_35 = arith.addi %add3A_4, %sub3A_33 : i32
    %dma_wait3A = arith.constant 0 : i32
    %dma_wait3A_36 = arith.constant 0 : i32
    %dma_wait3A_37 = arith.constant 0 : i32
    %dma_wait3A_38 = tpu.memref_slice %arg5[%and3A_34, %dma_wait3A, %dma_wait3A_36, %dma_wait3A_37] : memref<2x2x4x4096xf32, #tpu.memory_space<vmem>> -> memref<1x2x4x4096xf32, #tpu.memory_space<vmem>>
    %dma_wait3A_39 = tpu.memref_squeeze %dma_wait3A_38 : memref<1x2x4x4096xf32, #tpu.memory_space<vmem>> -> memref<2x4x4096xf32, #tpu.memory_space<vmem>>
    %dma_wait3A_40 = arith.constant 0 : i32
    %dma_wait3A_41 = arith.constant 0 : i32
    %dma_wait3A_42 = arith.constant 0 : i32
    %dma_wait3A_43 = tpu.memref_slice %arg3[%add3A_35, %dma_wait3A_40, %dma_wait3A_41, %dma_wait3A_42] : memref<1000x2x4x4096xf32, #tpu.memory_space<hbm>> -> memref<1x2x4x4096xf32, #tpu.memory_space<hbm>>
    %dma_wait3A_44 = tpu.memref_squeeze %dma_wait3A_43 : memref<1x2x4x4096xf32, #tpu.memory_space<hbm>> -> memref<2x4x4096xf32, #tpu.memory_space<hbm>>
    %dma_wait3A_45 = tpu.memref_slice %arg7[%and3A_34] : memref<2x!tpu.dma_semaphore, #tpu.memory_space<semaphore_mem>> -> memref<1x!tpu.dma_semaphore, #tpu.memory_space<semaphore_mem>>
    %dma_wait3A_46 = tpu.memref_squeeze %dma_wait3A_45 : memref<1x!tpu.dma_semaphore, #tpu.memory_space<semaphore_mem>> -> memref<!tpu.dma_semaphore, #tpu.memory_space<semaphore_mem>>
    %dma_wait3A_47 = arith.constant 0 : i32
    %dma_wait3A_48 = arith.constant 0 : i32
    %dma_wait3A_49 = arith.constant 0 : i32
    %dma_wait3A_50 = tpu.memref_slice %arg3[%add3A_35, %dma_wait3A_47, %dma_wait3A_48, %dma_wait3A_49] : memref<1000x2x4x4096xf32, #tpu.memory_space<hbm>> -> memref<1x2x4x4096xf32, #tpu.memory_space<hbm>>
    %dma_wait3A_51 = tpu.memref_squeeze %dma_wait3A_50 : memref<1x2x4x4096xf32, #tpu.memory_space<hbm>> -> memref<2x4x4096xf32, #tpu.memory_space<hbm>>
    %dma_wait3A_52 = arith.constant 0 : i32
    %dma_wait3A_53 = arith.constant 0 : i32
    %dma_wait3A_54 = arith.constant 0 : i32
    %dma_wait3A_55 = tpu.memref_slice %arg5[%and3A_34, %dma_wait3A_52, %dma_wait3A_53, %dma_wait3A_54] : memref<2x2x4x4096xf32, #tpu.memory_space<vmem>> -> memref<1x2x4x4096xf32, #tpu.memory_space<vmem>>
    %dma_wait3A_56 = tpu.memref_squeeze %dma_wait3A_55 : memref<1x2x4x4096xf32, #tpu.memory_space<vmem>> -> memref<2x4x4096xf32, #tpu.memory_space<vmem>>
    tpu.wait_dma2 semaphore(%dma_wait3A_46 : memref<!tpu.dma_semaphore, #tpu.memory_space<semaphore_mem>>) src(%dma_wait3A_56 : memref<2x4x4096xf32, #tpu.memory_space<vmem>>) dst(%dma_wait3A_51 : memref<2x4x4096xf32, #tpu.memory_space<hbm>>)
    %sub3A_57 = arith.constant 1 : i32
    %sub3A_58 = arith.subi %select_n3A, %sub3A_57 : i32
    %and3A_59 = arith.constant 1 : i32
    %and3A_60 = arith.andi %select_n3A, %and3A_59 : i32
    %sub3A_61 = arith.constant 1 : i32
    %sub3A_62 = arith.subi %sub3A_61, %and3A_60 : i32
    %add3A_63 = arith.addi %add3A_4, %sub3A_58 : i32
    %dma_wait3A_64 = arith.constant 0 : i32
    %dma_wait3A_65 = arith.constant 0 : i32
    %dma_wait3A_66 = arith.constant 0 : i32
    %dma_wait3A_67 = tpu.memref_slice %arg5[%sub3A_62, %dma_wait3A_64, %dma_wait3A_65, %dma_wait3A_66] : memref<2x2x4x4096xf32, #tpu.memory_space<vmem>> -> memref<1x2x4x4096xf32, #tpu.memory_space<vmem>>
    %dma_wait3A_68 = tpu.memref_squeeze %dma_wait3A_67 : memref<1x2x4x4096xf32, #tpu.memory_space<vmem>> -> memref<2x4x4096xf32, #tpu.memory_space<vmem>>
    %dma_wait3A_69 = arith.constant 0 : i32
    %dma_wait3A_70 = arith.constant 0 : i32
    %dma_wait3A_71 = arith.constant 0 : i32
    %dma_wait3A_72 = tpu.memref_slice %arg3[%add3A_63, %dma_wait3A_69, %dma_wait3A_70, %dma_wait3A_71] : memref<1000x2x4x4096xf32, #tpu.memory_space<hbm>> -> memref<1x2x4x4096xf32, #tpu.memory_space<hbm>>
    %dma_wait3A_73 = tpu.memref_squeeze %dma_wait3A_72 : memref<1x2x4x4096xf32, #tpu.memory_space<hbm>> -> memref<2x4x4096xf32, #tpu.memory_space<hbm>>
    %dma_wait3A_74 = tpu.memref_slice %arg7[%sub3A_62] : memref<2x!tpu.dma_semaphore, #tpu.memory_space<semaphore_mem>> -> memref<1x!tpu.dma_semaphore, #tpu.memory_space<semaphore_mem>>
    %dma_wait3A_75 = tpu.memref_squeeze %dma_wait3A_74 : memref<1x!tpu.dma_semaphore, #tpu.memory_space<semaphore_mem>> -> memref<!tpu.dma_semaphore, #tpu.memory_space<semaphore_mem>>
    %dma_wait3A_76 = arith.constant 0 : i32
    %dma_wait3A_77 = arith.constant 0 : i32
    %dma_wait3A_78 = arith.constant 0 : i32
    %dma_wait3A_79 = tpu.memref_slice %arg3[%add3A_63, %dma_wait3A_76, %dma_wait3A_77, %dma_wait3A_78] : memref<1000x2x4x4096xf32, #tpu.memory_space<hbm>> -> memref<1x2x4x4096xf32, #tpu.memory_space<hbm>>
    %dma_wait3A_80 = tpu.memref_squeeze %dma_wait3A_79 : memref<1x2x4x4096xf32, #tpu.memory_space<hbm>> -> memref<2x4x4096xf32, #tpu.memory_space<hbm>>
    %dma_wait3A_81 = arith.constant 0 : i32
    %dma_wait3A_82 = arith.constant 0 : i32
    %dma_wait3A_83 = arith.constant 0 : i32
    %dma_wait3A_84 = tpu.memref_slice %arg5[%sub3A_62, %dma_wait3A_81, %dma_wait3A_82, %dma_wait3A_83] : memref<2x2x4x4096xf32, #tpu.memory_space<vmem>> -> memref<1x2x4x4096xf32, #tpu.memory_space<vmem>>
    %dma_wait3A_85 = tpu.memref_squeeze %dma_wait3A_84 : memref<1x2x4x4096xf32, #tpu.memory_space<vmem>> -> memref<2x4x4096xf32, #tpu.memory_space<vmem>>
    tpu.wait_dma2 semaphore(%dma_wait3A_75 : memref<!tpu.dma_semaphore, #tpu.memory_space<semaphore_mem>>) src(%dma_wait3A_85 : memref<2x4x4096xf32, #tpu.memory_space<vmem>>) dst(%dma_wait3A_80 : memref<2x4x4096xf32, #tpu.memory_space<hbm>>)
    return
  }
}

</mosaic_0001>

<sc_bundles>
// kernel: kernel.3.cloned.1.call-start
scs
__scs_entry_jumppad:
0x0: {  	(pc) =	sbr.rel $0x88, $3  }
0x1: {  	(tag) =	ssettag $0x0;
	lr =	simm.s32 $0x1  }
0x2: {  	[smem:$0x3FA0] =	sst lr;
	_ =	strace $0xD0000000  }
0x3: {  	_ = 	snop  }
0x4: {  	_ = 	snop  }
0x5: {  	_ = 	snop  }
0x6: {  	_ = 	snop  }
0x7: {  	_ = 	snop  }
__scs_overlays_trampoline_lowered:
0x8: {  	[smem:$0x3FAF] =	sst s0  }
0x9: {  	[smem:$0x3FB0] =	sst s1  }
0xa: {  	[smem:$0x3FB1] =	sst s2  }
0xb: {  	[smem:$0x3FB2] =	sst s3  }
0xc: {  	[smem:$0x3FB3] =	sst s4  }
0xd: {  	[smem:$0x3FB4] =	sst s5  }
0xe: {  	[smem:$0x3FB5] =	sst s6  }
0xf: {  	[smem:$0x3FB6] =	sst s7  }
0x10: {  	[smem:$0x3FB7] =	sst s8  }
0x11: {  	[smem:$0x3FB8] =	sst s9;
	s0 =	simm.s32 @!p0 $0x0  }
0x12: {  	s1 =	sld [smem:$0x3F9E];
	s0 =	simm.s32 @p0 $0x1  }
0x13: {  	[smem:$0x3FB9] =	sst s0;
	s0 =	simm.s32 @!p1 $0x0  }
0x14: {  	s2 =	sld [smem:$0x3F9D];
	s0 =	simm.s32 @p1 $0x1  }
0x15: {  	[smem:$0x3FBA] =	sst s0;
	s0 =	simm.s32 @!p2 $0x0  }
0x16: {  	s3 =	sld [smem:$0x3FDB];
	s0 =	simm.s32 @p2 $0x1  }
0x17: {  	s4 =	simm.s32 $0x1BF5;
	[smem:$0x3FBC] =	sst s0  }
0x18: {  	s0 =	sld [smem:$0x3F9F];
	_ =	swait.ge [sflag:s4], $0x0  }
0x19: {  	s7 =	sld [smem:$0x3FA0]  }
0x1a: {  	s8 =	sadd.s32 $0xFFFFE003, lr  }
0x1b: {  	s9 =	sadd.s32 $0xFFFFFEF7, lr;
	s5 =	simm.s32 $0xFFFFFFFF;
	p2 =	slt.u32 s8, $0xFFFFF086  }
0x1c: {  	p1 =	slt.u32 s9, $0xF7A;
	s5 =	simm.s32 @!p2 $0x0  }
0x1d: {  	s5 =	simm.s32 @p1 $0x1;
	p0 =	seq.s32 s7, s2  }
0x1e: {  	s7 =	smul.u32 @!p0 $0xF7A, s2;
	p2 =	seq.s32 @!p0 s5, $0x0  }
0x1f: {  	s9 =	smul.u32 $0xF7A, s1;
	s8 =	simm.s32 @!p0 $0x1BF5;
	p2 =	por !p2, p0  }
0x20: {  	[sflag:s8] =	ssyncset.s32 @!p0 $0xFFFFF086;
	s6 =	sadd.s32 @!p0 s3, s7;
	s7 =	simm.s32 @!p0 $0x108  }
0x21: {  	s3 =	sadd.s32 s3, s9;
	s6 =	sadd.s32 @!p0 $0x88, s6;
	s7 =	simm.s32 @p2 $0x1082  }
0x22: {  	[simem:s7], [sflag:s8] =	dma.local @!p0 [hbm:s6], $0xF7A  }
0x23: {  	s9 =	sor.u32 $0xD0000000, s2;
	s6 =	simm.s32 $0x108;
	_ =	swait.ge @!p0 [sflag:s8], $0x0  }
0x24: {  	s3 =	sadd.s32 $0x88, s3;
	s6 =	simm.s32 @!p1 $0x1082;
	[sflag:s4] =	ssyncset.s32 $0xFFFFF086  }
0x25: {  	[simem:s6], [sflag:s4] =	dma.local [hbm:s3], $0xF7A  }
0x26: {  	[smem:$0x3FA0] =	sst s1;
	(tag) =	ssettag s2;
	_ =	strace s9  }
0x27: {  	s1 =	sld [smem:$0x3FB0]  }
0x28: {  	s2 =	sld [smem:$0x3FB1]  }
0x29: {  	s4 =	sld [smem:$0x3FB3]  }
0x2a: {  	p0 =	seq.s32 s5, $0x0;
	s5 =	sld [smem:$0x3FB4]  }
0x2b: {  	s6 =	sld [smem:$0x3FB5]  }
0x2c: {  	s7 =	sld [smem:$0x3FB6]  }
0x2d: {  	s3 =	simm.s32 $0x108;
	s8 =	sld [smem:$0x3FB7]  }
0x2e: {  	s3 =	simm.s32 @!p0 $0x1082;
	s9 =	sld [smem:$0x3FB8]  }
0x2f: {  	lr =	sadd.s32 s0, s3;
	s0 =	sld [smem:$0x3FAF]  }
0x30: {  	s3 =	sld [smem:$0x3FB2]  }
0x31: {  	[smem:$0x3FBB] =	sst s10  }
0x32: {  	s10 =	sld [smem:$0x3FB9];
	_ =	sdelay $0x3  }
0x33: {  	p0 =	seq.s32 s10, $0x1;
	s10 =	sld [smem:$0x3FBB];
	_ =	sdelay $0x3  }
0x34: {  	[smem:$0x3FBB] =	sst s10  }
0x35: {  	s10 =	sld [smem:$0x3FBA];
	_ =	sdelay $0x3  }
0x36: {  	p1 =	seq.s32 s10, $0x1;
	s10 =	sld [smem:$0x3FBB];
	_ =	sdelay $0x3  }
0x37: {  	[smem:$0x3FBB] =	sst s10  }
0x38: {  	s10 =	sld [smem:$0x3FBC]  }
0x39: {  	_ = 	snop;
	(pc) =	sbr.ind lr, $3  }
0x3a: {  	_ = 	snop  }
0x3b: {  	_ = 	snop  }
0x3c: {  	p2 =	seq.s32 s10, $0x1;
	s10 =	sld [smem:$0x3FBB]  }
0x3d: {  	_ =	shalt  }
0x3e: {  	_ =	shalt  }
0x3f: {  	_ =	shalt  }
0x40: {  	_ =	shalt  }
0x41: {  	_ =	shalt  }
0x42: {  	_ =	shalt  }
0x43: {  	_ =	shalt  }
0x44: {  	_ =	shalt  }
0x45: {  	_ =	shalt  }
0x46: {  	_ =	shalt  }
0x47: {  	_ =	shalt  }
0x48: {  	_ =	shalt  }
0x49: {  	_ =	shalt  }
0x4a: {  	_ =	shalt  }
0x4b: {  	_ =	shalt  }
0x4c: {  	_ =	shalt  }
0x4d: {  	_ =	shalt  }
0x4e: {  	_ =	shalt  }
0x4f: {  	_ =	shalt  }
0x50: {  	_ =	shalt  }
0x51: {  	_ =	shalt  }
0x52: {  	_ =	shalt  }
0x53: {  	_ =	shalt  }
0x54: {  	_ =	shalt  }
0x55: {  	_ =	shalt  }
0x56: {  	_ =	shalt  }
0x57: {  	_ =	shalt  }
0x58: {  	_ =	shalt  }
0x59: {  	_ =	shalt  }
0x5a: {  	_ =	shalt  }
0x5b: {  	_ =	shalt  }
0x5c: {  	_ =	shalt  }
0x5d: {  	_ =	shalt  }
0x5e: {  	_ =	shalt  }
0x5f: {  	_ =	shalt  }
0x60: {  	_ =	shalt  }
0x61: {  	_ =	shalt  }
0x62: {  	_ =	shalt  }
0x63: {  	_ =	shalt  }
0x64: {  	_ =	shalt  }
0x65: {  	_ =	shalt  }
0x66: {  	_ =	shalt  }
0x67: {  	_ =	shalt  }
0x68: {  	_ =	shalt  }
0x69: {  	_ =	shalt  }
0x6a: {  	_ =	shalt  }
0x6b: {  	_ =	shalt  }
0x6c: {  	_ =	shalt  }
0x6d: {  	_ =	shalt  }
0x6e: {  	_ =	shalt  }
0x6f: {  	_ =	shalt  }
0x70: {  	_ =	shalt  }
0x71: {  	_ =	shalt  }
0x72: {  	_ =	shalt  }
0x73: {  	_ =	shalt  }
0x74: {  	_ =	shalt  }
0x75: {  	_ =	shalt  }
0x76: {  	_ =	shalt  }
0x77: {  	_ =	shalt  }
0x78: {  	_ =	shalt  }
0x79: {  	_ =	shalt  }
0x7a: {  	_ =	shalt  }
0x7b: {  	_ =	shalt  }
0x7c: {  	_ =	shalt  }
0x7d: {  	_ =	shalt  }
0x7e: {  	_ =	shalt  }
0x7f: {  	_ =	shalt  }
0x80: {  	_ =	shalt  }
0x81: {  	_ =	shalt  }
0x82: {  	_ =	shalt  }
0x83: {  	_ =	shalt  }
0x84: {  	_ =	shalt  }
0x85: {  	_ =	shalt  }
0x86: {  	_ =	shalt  }
0x87: {  	_ =	shalt  }
.Lfunc_end0:
.L_simem_size_0:
called_computation_lowered:
.L_overlay_start_0:
0x88: {  	s2 =	sld [smem:$0x3FD9]  }
0x89: {  	s3 =	sld [smem:$0x3FFE];
	_ =	sdelay $0x1  }
0x8a: {  	s1 =	srdreg.scid  }
0x8b: {  	s0 =	sand.u32 $0x1, s1  }
0x8c: {  	s18 =	sshll.u32 s0, $0xA;
	s2 =	sadd.s32 s3, s2  }
0x8d: {  	s2 =	sadd.s32 s2, s18  }
0x8e: {  	[smem:$0x3FC7] =	sst s2  }
0x8f: {  	_ = 	snop  }
0x90: {  	s2 =	sld [smem:$0x3FC9]  }
0x91: {  	s19 =	sld [smem:$0x3FD0];
	(tm) =	ssettm $0x1  }
0x92: {  	s4 =	sld [smem:$0x3FFB];
	_ =	sdelay $0x3  }
0x93: {  	_ =	strace s4  }
0x94: {  	s4 =	sld [smem:$0x3FFC];
	_ =	sdelay $0x3  }
0x95: {  	_ =	strace s4  }
0x96: {  	s4 =	sld [smem:$0x3FFD];
	_ =	sdelay $0x3  }
0x97: {  	_ =	strace s4  }
0x98: {  	_ =	strace $0x8FFFFFFF  }
0x99: {  	s20 =	sld [smem:$0x3FDB];
	_ =	sdelay $0x1  }
0x9a: {  	s5 =	simm.s32 $_scs_section_size  }
0x9b: {  	s6 =	simm.s32 $_size__tile_overlayer_lowered;
	s7 =	simm.s32 $_tile_overlayer_lowered  }
0x9c: {  	s23 =	simm.s32 $0x1BFF;
	s22 =	sshll.u32 s7, $0x1;
	s4 =	sadd.s32 s5, s20  }
0x9d: {  	s8 =	simm.s32 $0x0;
	s21 =	sshll.u32 s6, $0x1;
	s6 =	sadd.s32 s22, s4  }
0x9e: {  	[timem:s8], [sflag:s23] =	dma.local [hbm:s6], s21  }
0x9f: {  	_ =	swait.ge [sflag:s23], s21  }
0xa0: {  	s5 =	ssub.s32 $0x0, s21;
	[sflag:s23] =	ssyncset.done $0x0  }
0xa1: {  	[sflag:s23] =	ssyncadd.s32 s5;
	_ =	sdelay $0x1  }
0xa2: {  	s24 =	simm.s32 $0x1B8B  }
0xa3: {  	_ =	swait.ge [sflag:s24], $0x1  }
0xa4: {  	[sflag:s24] =	ssyncset.done $0x0  }
0xa5: {  	s25 =	simm.s32 $0x1B8E;
	[sflag:s24] =	ssyncadd.s32 $0xFFFFFFFF  }
0xa6: {  	s26 =	simm.s32 $execute0_lowered;
	[smem:$0x3FD2] =	sst s25  }
0xa7: {  	s5 =	sshll.u32 s26, $0x1;
	_ =	strace $0x80000046;
	[dreg:$0x1] =	wrdreg $0xFFFFFFFF  }
0xa8: {  	s28 =	simm.s32 $_size_execute0_lowered;
	s4 =	sadd.s32 s4, s5;
	[dreg:$0x0] =	wrdreg $0x0  }
0xa9: {  	s5 =	sshll.u32 s28, $0x1;
	[dreg:$0x2] =	wrdreg s4  }
0xaa: {  	[dreg:$0x3] =	wrdreg s5  }
0xab: {  	[dreg:$0x4] =	wrdreg $0xC0  }
0xac: {  	_ =	task [dreg:s8], $0x5FFFF  }
0xad: {  	[dreg:$0x1] =	wrdreg $0xFFFFFFFF  }
0xae: {  	[dreg:$0x0] =	wrdreg $0x60  }
0xaf: {  	[dreg:$0x2] =	wrdreg s2  }
0xb0: {  	[dreg:$0x3] =	wrdreg s19  }
0xb1: {  	[dreg:$0x4] =	wrdreg $0x9  }
0xb2: {  	_ =	task.clear_ibuf [dreg:s8], $0x5FFFF;
	_ =	strace $0x90000046  }
0xb3: {  	s29 =	simm.s32 $0x9;
	_ =	strace $0x80000048  }
0xb4: {  	_ =	swait.ge [sflag:s29], $0x1  }
0xb5: {  	[sflag:s29] =	ssyncadd.s32 $0xFFFFFFFF  }
0xb6: {  	_ =	strace $0x90000048  }
0xb7: {  	_ =	sfence  }
0xb8: {  	s30 =	sld [smem:$0x0];
	_ =	sdelay $0x2  }
0xb9: {  	s31 =	sshll.u32 s1, $0xD;
	s1 =	sshrl.u32 s1, $0x2  }
0xba: {  	s3 =	sand.u32 $0x4000, s31;
	s1 =	sadd.s32 s1, s30  }
0xbb: {  	s0 =	sor.u32 s3, s0;
	s1 =	sshll.u32 s1, $0x11  }
0xbc: {  	s0 =	sor.u32 s1, s0  }
0xbd: {  	s0 =	sadd.s32 $0x8F2B, s0  }
0xbe: {  	[sflag:s0] =	ssyncadd.remote.s32 $0x1  }
0xbf: {  	_ =	sfence.sel $0xFFFF  }
0xc0: {  	[dreg:$0x0] =	wrdreg $0xFFFFFFFF;
	(pc) =	sbr.abs _section_cstart, $3  }
0xc1: {  	[dreg:$0x1] =	wrdreg $0xFFFFFFFF  }
0xc2: {  	_ =	task.clear_ibuf [dreg:s8], $0x2FFFF;
	_ =	strace $0x9FFFFFFF  }
0xc3: {  	(tm) =	ssettm $0x7FFFFFFF  }
tec
execute0_lowered:
.L_overlay_start_1:
0x0: {  	(tag) =	ssettag $0x1  }
0x1: {  	s1 =	srdreg.scid;
	s0 =	stileid.u32  }
0x2: {  	s2 =	rddreg [dreg:$0x0];
	s5 =	sand.u32 $0x1, s1;
	s4 =	sshll.u32 s0, $0x1  }
0x3: {  	s3 =	rddreg [dreg:$0x1];
	s11 =	simm.s32 $0x0;
	s6 =	sor.u32 s5, s4  }
0x4: {  	s1 =	rddreg [dreg:$0x2];
	s5 =	ssub.s32 $0x2, s5;
	s7 =	smul.u32 $0x1F, s6  }
0x5: {  	p0 =	slt.u32 s0, $0x4;
	s8 =	sshrl.u32 s5, $0x1;
	s6 =	smin.u32 s6, $0x8  }
0x6: {  	s4 =	simm.s32 $0x0;
	s10 =	ssub.s32 s5, s8;
	s5 =	sadd.s32 s6, s7  }
0x7: {  	[smem:$0x7FF] =	sst s4;
	s6 =	simm.s32 $0x20;
	s7 =	sshll.u32 s5, $0x4  }
0x8: {  	s6 =	simm.s32 @!p0 $0x1F;
	s31 =	sshll.u32 s5, $0x9;
	s7 =	sand.u32 $0x70, s7  }
0x9: {  	s8 =	sand.u32 $0xFF000, s31;
	s9 =	sand.u32 $0x1, s6;
	s7 =	sadd.s32 s2, s7  }
0xa: {  	s7 =	sadd.s32 s8, s7;
	s8 =	sadd.s32 $0x3, s9;
	s9 =	sxor.u32 $0x1, s9  }
0xb: {  	_ =	strace $0x80000047;
	s10 =	smax.u32 s10, $0x1;
	s9 =	sadd.s32 $0x3, s9  }
.LBB2_1:
0xc: {  	s13 =	simm.s32 $0x0;
	s14 =	simm.s32 $0x0  }
.LBB2_2:
0xd: {  	p0 =	sne.s32 s14, $0xF80  }
.Ltmp0:
0xe: {  	_ = 	snop;
	(pc) =	sbr.rel @p0 .LBB2_2-.Ltmp0, $4  }
0xf: {  	_ = 	snop  }
0x10: {  	s15 =	sadd.s32 s14, s7;
	s12 =	simm.s32 $0x0  }
0x11: {  	[tilespmem:s13], [sflag:$0x1] =	stream.linear.gather [hbm4b:s15+s12], $0x80, $0x38;
	[tilespmem:$0x12000] =	vst v63  }
0x12: {  	s14 =	sadd.s32 $0x80, s14;
	s13 =	sadd.s32 $0x100, s13  }
0x13: {  	p0 =	por $0x1, $0x1;
	p1 =	por $0x0, $0x0  }
.LBB2_4:
0x14: {  	s13 =	sadd.s32 $0x1, s12  }
0x15: {  	p2 =	sge.u32 s13, s6  }
.Ltmp1:
0x16: {  	_ = 	snop;
	(pc) =	sbr.rel @p2 .LBB2_8-.Ltmp1, $2  }
0x17: {  	_ =	sdelay $0x2  }
0x18: {  	s14 =	sand.u32 $0x1, s12  }
0x19: {  	s15 =	sadd.s32 s5, s13  }
0x1a: {  	s16 =	sshll.u32 s15, $0xC;
	s15 =	sshll.u32 s15, $0x7  }
0x1b: {  	s16 =	sand.u32 $0x7FFF8000, s16;
	s15 =	sand.u32 $0x380, s15  }
0x1c: {  	s17 =	simm.s32 $0x1;
	s15 =	sor.u32 s15, s16  }
0x1d: {  	s18 =	sxor.u32 $0x1, s14;
	s17 =	simm.s32 @!p0 $0x0;
	s19 =	sshrl.u32 s15, $0x3  }
0x1e: {  	s16 =	sshll.u32 s17, $0x7;
	s15 =	sadd.s32 $0x1, s18;
	s17 =	sadd.s32 s2, s19  }
0x1f: {  	s18 =	simm.s32 $0x80;
	s19 =	sadd.s32 $0x100, s16;
	s20 =	sadd.s32 $0x0, s17  }
.LBB2_6:
0x20: {  	[tilespmem:s16], [sflag:s15] =	stream.linear.gather [hbm4b:s20+s4], $0x80, $0x38;
	[tilespmem:$0x12000] =	vst v63  }
0x21: {  	s20 =	smov.u32 s18;
	s16 =	smov.u32 s19;
	p2 =	sne.s32 s18, $0xF80  }
.Ltmp2:
0x22: {  	s18 =	sadd.s32 $0x80, s18;
	(pc) =	sbr.rel @p2 .LBB2_6-.Ltmp2, $2  }
0x23: {  	_ =	sdelay $0x2  }
0x24: {  	s19 =	sadd.s32 $0x100, s19;
	s20 =	sadd.s32 s20, s17  }
0x25: {  	[tilespmem:s16], [sflag:s15] =	stream.linear.gather [hbm4b:s20+s4], $0x80, $0x38;
	[tilespmem:$0x12000] =	vst v63  }
.LBB2_8:
0x26: {  	p2 =	slt.u32 s12, $0x2  }
0x27: {  	s15 =	sadd.s32 @!p2 $0x3, s14  }
0x28: {  	_ =	swait.ge @!p2 [sflag:s15], $0x8000  }
0x29: {  	[sflag:s15] =	ssyncset.done @!p2 $0x0  }
0x2a: {  	s16 =	simm.s32 $0x1;
	s29 =	sadd.s32 $0x1, s14;
	[sflag:s15] =	ssyncadd.s32 @!p2 $0xFFFF8000  }
0x2b: {  	s16 =	simm.s32 @!p1 $0x0;
	_ =	swait.ge [sflag:s29], $0x1000  }
0x2c: {  	s17 =	sshll.u32 s16, $0x7;
	[sflag:s29] =	ssyncset.done $0x0  }
0x2d: {  	s18 =	sor.u32 $0x40, s17;
	[sflag:s29] =	ssyncadd.s32 $0xFFFFF000  }
0x2e: {  	v4 =	vld [tilespmem:s18+$0xFFFFFFC0]  }
0x2f: {  	v5 =	vld [tilespmem:s18+$0xFFFFFFD0]  }
0x30: {  	v2 =	vld [tilespmem:s18+$0x30]  }
0x31: {  	v7 =	vld [tilespmem:s18+$0x0]  }
0x32: {  	v13 =	vld [tilespmem:s18+$0xFFFFFFE0]  }
0x33: {  	v3 =	vand.u32 $0x1, v4;
	v6 =	vshrl.u32 v4, $0x1;
	v10 =	vshrl.u32 v4, $0x2  }
0x34: {  	v40 =	vld [tilespmem:s18+$0xFFFFFFF0];
	v11 =	vshrl.u32 v4, $0x4;
	v9 =	vshrl.u32 v4, $0x5;
	v8 =	vshrl.u32 v4, $0x6  }
0x35: {  	v1 =	vshrl.u32 v4, $0x7;
	v14 =	vshrl.u32 v5, $0x1;
	v15 =	vshrl.u32 v5, $0x7  }
0x36: {  	v16 =	vshrl.u32 v5, $0x3;
	v17 =	vshrl.u32 v5, $0x4;
	v0 =	vshrl.u32 v2, $0x6  }
0x37: {  	v28 =	vld [tilespmem:s18+$0x10];
	v18 =	vshrl.u32 v7, $0x1;
	v19 =	vshrl.u32 v5, $0x2;
	v20 =	vshrl.u32 v13, $0x1  }
0x38: {  	v21 =	vshrl.u32 v13, $0x2;
	v22 =	vshrl.u32 v13, $0x4;
	v23 =	vshrl.u32 v13, $0x5  }
0x39: {  	v38 =	vshrl.u32 v13, $0x7;
	v41 =	vshrl.u32 v13, $0x3;
	v42 =	vshrl.u32 v40, $0x1  }
0x3a: {  	v43 =	vshrl.u32 v40, $0x2;
	v26 =	vshrl.u32 v40, $0x4;
	v44 =	vshrl.u32 v40, $0x5  }
0x3b: {  	v27 =	vshrl.u32 v40, $0x6;
	v45 =	vshrl.u32 v40, $0x7;
	v15 =	vand.u32 $0x1, v15  }
0x3c: {  	s30 =	sshll.u32 s16, $0xF;
	v46 =	vshrl.u32 v28, $0x4;
	v20 =	vand.u32 $0x1, v20;
	v15 =	vcvt.s32.f32 v15  }
0x3d: {  	s15 =	sor.u32 $0x2000, s30;
	v47 =	vshrl.u32 v28, $0x6;
	v21 =	vand.u32 $0x1, v21;
	v20 =	vcvt.s32.f32 v20  }
0x3e: {  	v49 =	vand.u32 $0x1, v28;
	v14 =	vand.u32 $0x1, v14;
	v21 =	vcvt.s32.f32 v21;
	[tilespmem:s15+$0x4190] =	vst v15  }
0x3f: {  	v50 =	vshrl.u32 v28, $0x2;
	v17 =	vand.u32 $0x1, v17;
	v14 =	vcvt.s32.f32 v14;
	[tilespmem:s15+$0xA0] =	vst v20  }
0x40: {  	v51 =	vshrl.u32 v7, $0x3;
	v19 =	vand.u32 $0x1, v19;
	v17 =	vcvt.s32.f32 v17;
	[tilespmem:s15+$0x120] =	vst v21  }
0x41: {  	v53 =	vshrl.u32 v7, $0x4;
	v16 =	vand.u32 $0x1, v16;
	v19 =	vcvt.s32.f32 v19;
	[tilespmem:s15+$0x90] =	vst v14  }
0x42: {  	v55 =	vshrl.u32 v7, $0x5;
	v48 =	vand.u32 $0x1, v47;
	v16 =	vcvt.s32.f32 v16;
	[tilespmem:s15+$0x4010] =	vst v17  }
0x43: {  	v56 =	vshrl.u32 v7, $0x6;
	v8 =	vand.u32 $0x1, v8;
	v52 =	vcvt.s32.f32 v48;
	[tilespmem:s15+$0x110] =	vst v19  }
0x44: {  	v12 =	vand.u32 $0x1, v1;
	v9 =	vand.u32 $0x1, v9;
	v8 =	vcvt.s32.f32 v8;
	[tilespmem:s15+$0x190] =	vst v16  }
0x45: {  	v1 =	vshrl.u32 v5, $0x6;
	v11 =	vand.u32 $0x1, v11;
	v9 =	vcvt.s32.f32 v9;
	[tilespmem:s15+$0x4150] =	vst v52  }
0x46: {  	v24 =	vand.u32 $0x1, v1;
	v1 =	vand.u32 $0x1, v22;
	v11 =	vcvt.s32.f32 v11;
	[tilespmem:s15+$0x4100] =	vst v8  }
0x47: {  	v57 =	vshrl.u32 v7, $0x7;
	v22 =	vand.u32 $0x1, v38;
	v25 =	vcvt.s32.f32 v1;
	[tilespmem:s15+$0x4080] =	vst v9  }
0x48: {  	v61 =	vshrl.u32 v2, $0x7;
	v4 =	vshrl.u32 v4, $0x3;
	v22 =	vcvt.s32.f32 v22;
	[tilespmem:s15+$0x4000] =	vst v11  }
0x49: {  	v54 =	vand.u32 $0x1, v53;
	v39 =	vcvt.s32.f32 v24;
	v24 =	vand.u32 $0x1, v40;
	[tilespmem:s15+$0x4020] =	vst v25  }
0x4a: {  	v18 =	vand.u32 $0x1, v18;
	v19 =	vand.u32 $0x1, v27;
	v24 =	vcvt.s32.f32 v24;
	[tilespmem:s15+$0x41A0] =	vst v22  }
0x4b: {  	v15 =	vshrl.u32 v13, $0x6;
	v13 =	vand.u32 $0x1, v13;
	v19 =	vcvt.s32.f32 v19;
	[tilespmem:s15+$0x4110] =	vst v39  }
0x4c: {  	v10 =	vand.u32 $0x1, v10;
	v17 =	vand.u32 $0x1, v26;
	v13 =	vcvt.s32.f32 v13;
	[tilespmem:s15+$0x30] =	vst v24  }
0x4d: {  	v6 =	vand.u32 $0x1, v6;
	v21 =	vand.u32 $0x1, v42;
	v17 =	vcvt.s32.f32 v17;
	[tilespmem:s15+$0x4130] =	vst v19  }
0x4e: {  	v20 =	vshrl.u32 v5, $0x5;
	v5 =	vand.u32 $0x1, v5;
	v21 =	vcvt.s32.f32 v21;
	[tilespmem:s15+$0x20] =	vst v13  }
0x4f: {  	v4 =	vand.u32 $0x1, v4;
	v9 =	vand.u32 $0x1, v61;
	v8 =	vcvt.s32.f32 v5;
	[tilespmem:s15+$0x4030] =	vst v17  }
0x50: {  	v14 =	vand.u32 $0x1, v20;
	v20 =	vshrl.u32 v40, $0x3;
	v9 =	vcvt.s32.f32 v9;
	[tilespmem:s15+$0xB0] =	vst v21  }
0x51: {  	v22 =	vand.u32 $0x1, v43;
	v5 =	vand.u32 $0x1, v50;
	v14 =	vcvt.s32.f32 v14;
	[tilespmem:s15+$0x10] =	vst v8  }
0x52: {  	v16 =	vand.u32 $0x1, v20;
	v20 =	vand.u32 $0x1, v44;
	v22 =	vcvt.s32.f32 v22;
	[tilespmem:s15+$0x41F0] =	vst v9  }
0x53: {  	v24 =	vand.u32 $0x1, v57;
	v11 =	vcvt.s32.f32 v5;
	v5 =	vcvt.s32.f32 v4;
	[tilespmem:s15+$0x4090] =	vst v14  }
0x54: {  	v19 =	vand.u32 $0x1, v41;
	v13 =	vcvt.s32.f32 v16;
	v16 =	vshrl.u32 v28, $0x1;
	[tilespmem:s15+$0x130] =	vst v22  }
0x55: {  	v17 =	vshrl.u32 v28, $0x3;
	v58 =	vcvt.s32.f32 v24;
	v14 =	vcvt.s32.f32 v20;
	[tilespmem:s15+$0x150] =	vst v11  }
0x56: {  	v9 =	vcvt.s32.f32 v3;
	v16 =	vand.u32 $0x1, v16;
	v19 =	vcvt.s32.f32 v19;
	[tilespmem:s15+$0x1B0] =	vst v13  }
0x57: {  	v20 =	vand.u32 $0x1, v45;
	v13 =	vshrl.u32 v28, $0x5;
	v16 =	vcvt.s32.f32 v16;
	[tilespmem:s15+$0x40B0] =	vst v14  }
0x58: {  	v14 =	vcvt.s32.f32 v20;
	v20 =	vshrl.u32 v28, $0x7;
	v13 =	vand.u32 $0x1, v13;
	[tilespmem:s15+$0x1A0] =	vst v19  }
0x59: {  	v19 =	vand.u32 $0x1, v56;
	v20 =	vand.u32 $0x1, v20;
	v13 =	vcvt.s32.f32 v13;
	[tilespmem:s15+$0xD0] =	vst v16  }
0x5a: {  	[tilespmem:s15+$0x41B0] =	vst v14;
	v14 =	vand.u32 $0x1, v17;
	v17 =	vand.u32 $0x1, v46;
	v20 =	vcvt.s32.f32 v20  }
0x5b: {  	v15 =	vand.u32 $0x1, v15;
	v19 =	vcvt.s32.f32 v19;
	v17 =	vcvt.s32.f32 v17;
	[tilespmem:s15+$0x40D0] =	vst v13  }
0x5c: {  	v16 =	vcvt.s32.f32 v18;
	v14 =	vcvt.s32.f32 v14;
	v13 =	vand.u32 $0x1, v55;
	[tilespmem:s15+$0x41D0] =	vst v20;
	v20 =	vld [tilespmem:s18+$0x20]  }
0x5d: {  	v21 =	vand.u32 $0x1, v51;
	v18 =	vcvt.s32.f32 v12;
	v13 =	vcvt.s32.f32 v13;
	[tilespmem:s15+$0x4050] =	vst v17  }
0x5e: {  	v17 =	vshrl.u32 v7, $0x2;
	[tilespmem:s15+$0x1D0] =	vst v14;
	v14 =	vcvt.s32.f32 v15;
	v15 =	vcvt.s32.f32 v21  }
0x5f: {  	[tilespmem:s15+$0x41C0] =	vst v58;
	v21 =	vcvt.s32.f32 v54;
	v7 =	vand.u32 $0x1, v7;
	v17 =	vand.u32 $0x1, v17  }
0x60: {  	v1 =	vand.u32 $0x1, v23;
	v4 =	vcvt.s32.f32 v7;
	v17 =	vcvt.s32.f32 v17;
	[tilespmem:s15+$0x1C0] =	vst v15  }
0x61: {  	[tilespmem:s15+$0x4120] =	vst v14;
	v14 =	vcvt.s32.f32 v49;
	v15 =	vshrl.u32 v20, $0x1;
	v59 =	vshrl.u32 v20, $0x2  }
0x62: {  	[tilespmem:s15+$0x40C0] =	vst v13;
	v60 =	vshrl.u32 v20, $0x3;
	v13 =	vshrl.u32 v20, $0x4;
	v12 =	vshrl.u32 v20, $0x6  }
0x63: {  	v62 =	vshrl.u32 v20, $0x5;
	[tilespmem:s15+$0x140] =	vst v17;
	v17 =	vshrl.u32 v20, $0x7;
	v12 =	vand.u32 $0x1, v12  }
0x64: {  	[tilespmem:s15+$0xC0] =	vst v16;
	v7 =	vand.u32 $0x1, v13;
	v13 =	vcvt.s32.f32 v6;
	v16 =	vand.u32 $0x1, v59  }
0x65: {  	[tilespmem:s15+$0x0] =	vst v9;
	v6 =	vand.u32 $0x1, v2;
	v8 =	vand.u32 $0x1, v60;
	v15 =	vand.u32 $0x1, v15  }
0x66: {  	[tilespmem:s15+$0x4140] =	vst v19;
	v19 =	vcvt.s32.f32 v12;
	v12 =	vand.u32 $0x1, v17;
	v63 =	vcvt.s32.f32 v6  }
0x67: {  	[tilespmem:s15+$0x50] =	vst v14;
	v17 =	vand.u32 $0x1, v62;
	v14 =	vcvt.s32.f32 v7;
	v6 =	vcvt.s32.f32 v10  }
0x68: {  	[tilespmem:s15+$0x4180] =	vst v18;
	v7 =	vand.u32 $0x1, v20;
	v18 =	vcvt.s32.f32 v15;
	v16 =	vcvt.s32.f32 v16  }
0x69: {  	[tilespmem:s15+$0x40] =	vst v4;
	v15 =	vcvt.s32.f32 v8;
	v8 =	vshrl.u32 v2, $0x2;
	v4 =	vcvt.s32.f32 v7  }
0x6a: {  	[tilespmem:s15+$0x4040] =	vst v21;
	v10 =	vshrl.u32 v2, $0x4;
	v12 =	vcvt.s32.f32 v12;
	v17 =	vcvt.s32.f32 v17  }
0x6b: {  	s31 =	sshll.u32 s14, $0xF;
	v7 =	vshrl.u32 v2, $0x1;
	v9 =	vand.u32 $0x1, v10;
	[tilespmem:s15+$0x60] =	vst v4;
	v4 =	vshrl.u32 v2, $0x3  }
0x6c: {  	s16 =	sor.u32 $0x2000, s31;
	[tilespmem:s15+$0x70] =	vst v63;
	v3 =	vand.u32 $0x1, v7;
	v7 =	vand.u32 $0x1, v8;
	v4 =	vand.u32 $0x1, v4  }
0x6d: {  	s17 =	simm.s32 $0x0;
	s19 =	smov.u32 s15;
	s18 =	sadd.s32 $0x100, s18;
	[tilespmem:s15+$0x4160] =	vst v19;
	v19 =	vcvt.s32.f32 v9;
	v2 =	vshrl.u32 v2, $0x5;
	v8 =	vcvt.s32.f32 v4  }
.LBB2_9:
0x6e: {  	v4 =	vld [tilespmem:s18+$0xFFFFFFC0];
	s17 =	sadd.s32 $0x8, s17;
	[tilespmem:s15+$0x180] =	vst v5;
	v20 =	vcvt.s32.f32 v3;
	v21 =	vcvt.s32.f32 v7;
	v3 =	vand.u32 $0x1, v2;
	s19 =	sadd.s32 $0x200, s19  }
0x6f: {  	v1 =	vcvt.s32.f32 v1;
	v0 =	vand.u32 $0x1, v0;
	v2 =	vld [tilespmem:s18+$0x30];
	p2 =	slt.u32 s17, $0xF8;
	[tilespmem:s15+$0x1F0] =	vst v8;
	v3 =	vcvt.s32.f32 v3  }
0x70: {  	v0 =	vcvt.s32.f32 v0;
	v5 =	vld [tilespmem:s18+$0xFFFFFFD0];
	[tilespmem:s15+$0x100] =	vst v6  }
0x71: {  	v7 =	vld [tilespmem:s18+$0x0];
	[tilespmem:s15+$0x40A0] =	vst v1  }
0x72: {  	[tilespmem:s15+$0x40F0] =	vst v3  }
0x73: {  	v3 =	vand.u32 $0x1, v4;
	v6 =	vshrl.u32 v4, $0x1;
	v9 =	vshrl.u32 v4, $0x2;
	v22 =	vld [tilespmem:s18+$0xFFFFFFE0];
	[tilespmem:s15+$0x4170] =	vst v0  }
0x74: {  	v11 =	vshrl.u32 v4, $0x4;
	v10 =	vshrl.u32 v4, $0x5;
	v8 =	vshrl.u32 v4, $0x6;
	[tilespmem:s15+$0x41E0] =	vst v12  }
0x75: {  	v1 =	vshrl.u32 v4, $0x7;
	v23 =	vshrl.u32 v5, $0x1;
	v24 =	vshrl.u32 v5, $0x7;
	[tilespmem:s15+$0x170] =	vst v21  }
0x76: {  	v0 =	vshrl.u32 v2, $0x6;
	v21 =	vshrl.u32 v5, $0x3;
	v25 =	vshrl.u32 v5, $0x4;
	[tilespmem:s15+$0x80] =	vst v13  }
0x77: {  	v12 =	vand.u32 $0x1, v1;
	v1 =	vshrl.u32 v5, $0x6;
	v13 =	vshrl.u32 v7, $0x1;
	[tilespmem:s15+$0xF0] =	vst v20  }
0x78: {  	v20 =	vshrl.u32 v5, $0x2;
	v26 =	vshrl.u32 v22, $0x1;
	v27 =	vshrl.u32 v22, $0x2;
	[tilespmem:s15+$0xE0] =	vst v18  }
0x79: {  	v28 =	vshrl.u32 v22, $0x5;
	v18 =	vand.u32 $0x1, v26;
	v26 =	vshrl.u32 v22, $0x4;
	[tilespmem:s15+$0x40E0] =	vst v17  }
0x7a: {  	v17 =	vand.u32 $0x1, v1;
	v1 =	vand.u32 $0x1, v26;
	v26 =	vshrl.u32 v22, $0x7;
	[tilespmem:s15+$0x4070] =	vst v19  }
0x7b: {  	v19 =	vcvt.s32.f32 v1;
	v1 =	vand.u32 $0x1, v28;
	v26 =	vand.u32 $0x1, v26;
	[tilespmem:s15+$0x4060] =	vst v14  }
0x7c: {  	v14 =	vcvt.s32.f32 v17;
	v17 =	vand.u32 $0x1, v24;
	v24 =	vcvt.s32.f32 v26;
	[tilespmem:s15+$0x160] =	vst v16  }
0x7d: {  	v16 =	vcvt.s32.f32 v17;
	v17 =	vcvt.s32.f32 v18;
	v18 =	vand.u32 $0x1, v27;
	v26 =	vld [tilespmem:s18+$0xFFFFFFF0];
	[tilespmem:s15+$0x1E0] =	vst v15;
	s15 =	smov.u32 s19  }
0x7e: {  	v20 =	vand.u32 $0x1, v20;
	v15 =	vand.u32 $0x1, v23;
	v18 =	vcvt.s32.f32 v18;
	[tilespmem:s19+$0x4020] =	vst v19  }
0x7f: {  	v15 =	vcvt.s32.f32 v15;
	v19 =	vcvt.s32.f32 v20;
	v20 =	vshrl.u32 v22, $0x3;
	[tilespmem:s19+$0x41A0] =	vst v24  }
0x80: {  	v21 =	vand.u32 $0x1, v21;
	v23 =	vand.u32 $0x1, v25;
	[tilespmem:s19+$0x4190] =	vst v16;
	v16 =	vshrl.u32 v22, $0x6  }
0x81: {  	v21 =	vcvt.s32.f32 v21;
	v23 =	vcvt.s32.f32 v23;
	[tilespmem:s19+$0xA0] =	vst v17;
	v16 =	vand.u32 $0x1, v16  }
0x82: {  	v17 =	vshrl.u32 v5, $0x5;
	[tilespmem:s19+$0x120] =	vst v18;
	v18 =	vshrl.u32 v26, $0x1;
	v24 =	vshrl.u32 v26, $0x2  }
0x83: {  	v25 =	vshrl.u32 v26, $0x4;
	[tilespmem:s19+$0x90] =	vst v15;
	v15 =	vand.u32 $0x1, v17;
	v17 =	vshrl.u32 v26, $0x3  }
0x84: {  	v27 =	vshrl.u32 v26, $0x6;
	[tilespmem:s19+$0x4010] =	vst v23;
	v23 =	vand.u32 $0x1, v25;
	v25 =	vshrl.u32 v26, $0x5  }
0x85: {  	v15 =	vcvt.s32.f32 v15;
	[tilespmem:s19+$0x110] =	vst v19;
	v19 =	vand.u32 $0x1, v27;
	v27 =	vshrl.u32 v26, $0x7;
	v28 =	vld [tilespmem:s18+$0x10]  }
0x86: {  	v17 =	vand.u32 $0x1, v17;
	[tilespmem:s19+$0x190] =	vst v21;
	v21 =	vand.u32 $0x1, v25;
	v19 =	vcvt.s32.f32 v19  }
0x87: {  	[tilespmem:s19+$0x4090] =	vst v15;
	v15 =	vand.u32 $0x1, v22;
	v21 =	vcvt.s32.f32 v21;
	v22 =	vand.u32 $0x1, v27  }
0x88: {  	v23 =	vcvt.s32.f32 v23;
	v25 =	vand.u32 $0x1, v26;
	v15 =	vcvt.s32.f32 v15;
	[tilespmem:s19+$0x4130] =	vst v19  }
0x89: {  	v19 =	vand.u32 $0x1, v20;
	v20 =	vcvt.s32.f32 v25;
	[tilespmem:s19+$0x40B0] =	vst v21;
	v21 =	vcvt.s32.f32 v22  }
0x8a: {  	[tilespmem:s19+$0x20] =	vst v15;
	v15 =	vcvt.s32.f32 v17;
	v17 =	vshrl.u32 v28, $0x1;
	v22 =	vshrl.u32 v28, $0x7  }
0x8b: {  	v25 =	vshrl.u32 v28, $0x4;
	[tilespmem:s19+$0x4030] =	vst v23;
	v23 =	vshrl.u32 v28, $0x3;
	v22 =	vand.u32 $0x1, v22  }
0x8c: {  	v18 =	vand.u32 $0x1, v18;
	v26 =	vshrl.u32 v28, $0x6;
	[tilespmem:s19+$0x1B0] =	vst v15;
	v15 =	vshrl.u32 v28, $0x5  }
0x8d: {  	v24 =	vand.u32 $0x1, v24;
	[tilespmem:s19+$0x41B0] =	vst v21;
	v21 =	vand.u32 $0x1, v23;
	v23 =	vand.u32 $0x1, v25  }
0x8e: {  	v15 =	vand.u32 $0x1, v15;
	[tilespmem:s19+$0x30] =	vst v20;
	v20 =	vcvt.s32.f32 v23;
	v23 =	vand.u32 $0x1, v26  }
0x8f: {  	v17 =	vand.u32 $0x1, v17;
	[tilespmem:s19+$0x4110] =	vst v14;
	v14 =	vcvt.s32.f32 v18;
	v18 =	vcvt.s32.f32 v24  }
0x90: {  	v25 =	vshrl.u32 v28, $0x2;
	v21 =	vcvt.s32.f32 v21;
	v24 =	vand.u32 $0x1, v28;
	[tilespmem:s19+$0x4050] =	vst v20  }
0x91: {  	v15 =	vcvt.s32.f32 v15;
	v20 =	vcvt.s32.f32 v22;
	[tilespmem:s19+$0xB0] =	vst v14;
	v14 =	vshrl.u32 v7, $0x2  }
0x92: {  	v17 =	vcvt.s32.f32 v17;
	v22 =	vcvt.s32.f32 v23;
	[tilespmem:s19+$0x130] =	vst v18;
	v18 =	vshrl.u32 v7, $0x3  }
0x93: {  	v19 =	vcvt.s32.f32 v19;
	v23 =	vshrl.u32 v7, $0x4;
	v18 =	vand.u32 $0x1, v18;
	[tilespmem:s19+$0x1D0] =	vst v21  }
0x94: {  	v16 =	vcvt.s32.f32 v16;
	v21 =	vand.u32 $0x1, v23;
	v18 =	vcvt.s32.f32 v18;
	[tilespmem:s19+$0x41D0] =	vst v20;
	v20 =	vld [tilespmem:s18+$0x20]  }
0x95: {  	v26 =	vshrl.u32 v7, $0x6;
	v23 =	vshrl.u32 v7, $0x5;
	v21 =	vcvt.s32.f32 v21;
	[tilespmem:s19+$0x40D0] =	vst v15  }
0x96: {  	v15 =	vand.u32 $0x1, v23;
	v23 =	vshrl.u32 v7, $0x7;
	[tilespmem:s19+$0x1A0] =	vst v19;
	v19 =	vand.u32 $0x1, v26  }
0x97: {  	v15 =	vcvt.s32.f32 v15;
	v23 =	vand.u32 $0x1, v23;
	v19 =	vcvt.s32.f32 v19;
	[tilespmem:s19+$0x4150] =	vst v22  }
0x98: {  	v13 =	vand.u32 $0x1, v13;
	v14 =	vand.u32 $0x1, v14;
	v22 =	vcvt.s32.f32 v23;
	[tilespmem:s19+$0xD0] =	vst v17  }
0x99: {  	v13 =	vcvt.s32.f32 v13;
	v14 =	vcvt.s32.f32 v14;
	[tilespmem:s19+$0x1C0] =	vst v18;
	v17 =	vshrl.u32 v20, $0x1  }
0x9a: {  	v18 =	vcvt.s32.f32 v12;
	v23 =	vshrl.u32 v20, $0x3;
	[tilespmem:s19+$0x40C0] =	vst v15;
	v15 =	vshrl.u32 v20, $0x2  }
0x9b: {  	v26 =	vshrl.u32 v2, $0x7;
	[tilespmem:s19+$0x4120] =	vst v16;
	v16 =	vcvt.s32.f32 v24;
	v24 =	vshrl.u32 v20, $0x4  }
0x9c: {  	v9 =	vand.u32 $0x1, v9;
	v11 =	vand.u32 $0x1, v11;
	[tilespmem:s19+$0x41C0] =	vst v22;
	v22 =	vshrl.u32 v20, $0x5  }
0x9d: {  	v10 =	vand.u32 $0x1, v10;
	v12 =	vshrl.u32 v20, $0x6;
	[tilespmem:s19+$0x140] =	vst v14;
	v14 =	vshrl.u32 v20, $0x7  }
0x9e: {  	v8 =	vand.u32 $0x1, v8;
	v7 =	vand.u32 $0x1, v7;
	v12 =	vand.u32 $0x1, v12;
	[tilespmem:s19+$0x4040] =	vst v21  }
0x9f: {  	v8 =	vcvt.s32.f32 v8;
	v5 =	vand.u32 $0x1, v5;
	[tilespmem:s19+$0x4140] =	vst v19;
	v19 =	vcvt.s32.f32 v12  }
0xa0: {  	v6 =	vand.u32 $0x1, v6;
	v10 =	vcvt.s32.f32 v10;
	v12 =	vand.u32 $0x1, v14;
	[tilespmem:s19+$0xC0] =	vst v13  }
0xa1: {  	v11 =	vcvt.s32.f32 v11;
	[tilespmem:s19+$0x4100] =	vst v8;
	v8 =	vcvt.s32.f32 v5;
	v5 =	vand.u32 $0x1, v25  }
0xa2: {  	v4 =	vshrl.u32 v4, $0x3;
	v12 =	vcvt.s32.f32 v12;
	[tilespmem:s19+$0x4080] =	vst v10;
	v10 =	vand.u32 $0x1, v26  }
0xa3: {  	v4 =	vand.u32 $0x1, v4;
	[tilespmem:s19+$0x4000] =	vst v11;
	v11 =	vcvt.s32.f32 v5;
	v10 =	vcvt.s32.f32 v10  }
0xa4: {  	v5 =	vcvt.s32.f32 v4;
	v4 =	vcvt.s32.f32 v7;
	v7 =	vand.u32 $0x1, v24;
	[tilespmem:s19+$0x4180] =	vst v18  }
0xa5: {  	v15 =	vand.u32 $0x1, v15;
	v13 =	vcvt.s32.f32 v6;
	v6 =	vand.u32 $0x1, v2;
	[tilespmem:s19+$0x50] =	vst v16  }
0xa6: {  	v21 =	vcvt.s32.f32 v6;
	v16 =	vand.u32 $0x1, v22;
	[tilespmem:s19+$0x10] =	vst v8;
	v8 =	vand.u32 $0x1, v23  }
0xa7: {  	v18 =	vand.u32 $0x1, v17;
	v14 =	vcvt.s32.f32 v7;
	v17 =	vcvt.s32.f32 v16;
	[tilespmem:s19+$0x41F0] =	vst v10  }
0xa8: {  	v6 =	vcvt.s32.f32 v9;
	v7 =	vand.u32 $0x1, v20;
	v18 =	vcvt.s32.f32 v18;
	[tilespmem:s19+$0x70] =	vst v21  }
.Ltmp3:
0xa9: {  	v16 =	vcvt.s32.f32 v15;
	[tilespmem:s19+$0x40] =	vst v4;
	v4 =	vcvt.s32.f32 v7;
	v7 =	vshrl.u32 v2, $0x1;
	(pc) =	sbr.rel @p2 .LBB2_9-.Ltmp3, $4  }
0xaa: {  	v9 =	vcvt.s32.f32 v3;
	v15 =	vcvt.s32.f32 v8;
	v8 =	vshrl.u32 v2, $0x2;
	[tilespmem:s19+$0x4160] =	vst v19  }
0xab: {  	v10 =	vshrl.u32 v2, $0x4;
	v3 =	vand.u32 $0x1, v7;
	[tilespmem:s19+$0x60] =	vst v4;
	v4 =	vshrl.u32 v2, $0x3  }
0xac: {  	v7 =	vand.u32 $0x1, v8;
	[tilespmem:s19+$0x0] =	vst v9;
	v4 =	vand.u32 $0x1, v4;
	v9 =	vand.u32 $0x1, v10  }
0xad: {  	s18 =	sadd.s32 $0x100, s18;
	v2 =	vshrl.u32 v2, $0x5;
	[tilespmem:s19+$0x150] =	vst v11;
	v8 =	vcvt.s32.f32 v4;
	v19 =	vcvt.s32.f32 v9  }
0xae: {  	[tilespmem:s15+$0x180] =	vst v5  }
0xaf: {  	[tilespmem:s15+$0x100] =	vst v6  }
0xb0: {  	[tilespmem:s15+$0x41E0] =	vst v12  }
0xb1: {  	[tilespmem:s15+$0x80] =	vst v13  }
0xb2: {  	[tilespmem:s15+$0xE0] =	vst v18  }
0xb3: {  	[tilespmem:s15+$0x40E0] =	vst v17  }
0xb4: {  	[tilespmem:s15+$0x4060] =	vst v14  }
0xb5: {  	[tilespmem:s15+$0x160] =	vst v16  }
0xb6: {  	[tilespmem:s15+$0x1E0] =	vst v15  }
0xb7: {  	v1 =	vcvt.s32.f32 v1;
	[tilespmem:s15+$0x1F0] =	vst v8  }
0xb8: {  	v62 =	vcvt.s32.f32 v7;
	[tilespmem:s15+$0x4070] =	vst v19  }
0xb9: {  	v2 =	vand.u32 $0x1, v2;
	v63 =	vcvt.s32.f32 v3;
	[tilespmem:s15+$0x40A0] =	vst v1  }
0xba: {  	v0 =	vand.u32 $0x1, v0;
	s12 =	sadd.s32 s5, s12;
	p2 =	sne.s32 s13, s6;
	v2 =	vcvt.s32.f32 v2;
	[tilespmem:s15+$0x170] =	vst v62  }
.Ltmp4:
0xbb: {  	v0 =	vcvt.s32.f32 v0;
	s12 =	sshll.u32 s12, $0xC;
	[tilespmem:s15+$0xF0] =	vst v63;
	(pc) =	sbr.rel @p2 .LBB2_4-.Ltmp4, $4  }
0xbc: {  	s12 =	sand.u32 $0x1FFFF000, s12;
	[tilespmem:s15+$0x40F0] =	vst v2  }
0xbd: {  	s14 =	sadd.s32 $0x3, s14;
	[tilespmem:s15+$0x4170] =	vst v0;
	s12 =	sadd.s32 s3, s12  }
0xbe: {  	[hbm4b:s12+s4] =	stream.linear.scatter [tilespmem:s16], [sflag:s14], $0x8000, $0x38;
	[tilespmem:$0x12000] =	vst v63  }
0xbf: {  	p0 =	por !p0, !p0;
	p1 =	por !p1, !p1;
	s12 =	smov.u32 s13  }
0xc0: {  	s11 =	sadd.s32 $0x1, s11  }
0xc1: {  	_ =	swait.ge [sflag:s8], $0x8000;
	p0 =	sne.s32 s11, s10  }
.Ltmp5:
0xc2: {  	[sflag:s8] =	ssyncset.done $0x0;
	(pc) =	sbr.rel @p0 .LBB2_1-.Ltmp5, $4  }
0xc3: {  	[sflag:s8] =	ssyncadd.s32 $0xFFFF8000  }
0xc4: {  	_ =	swait.ge [sflag:s9], $0x8000  }
0xc5: {  	[sflag:s9] =	ssyncset.done $0x0  }
0xc6: {  	[sflag:s9] =	ssyncadd.s32 $0xFFFF8000  }
0xc7: {  	_ =	sfence.sel $0x180000  }
0xc8: {  	[bflag:$0x0] =	sbarrier.arrive $0xFFFF  }
0xc9: {  	p0 =	sne.s32 s0, $0x0;
	_ =	strace $0x90000047  }
0xca: {  	s0 =	sadd.s32 @!p0 $0x100000, s1;
	[bflag:$0x2] =	sbarrier.arrive $0xFFFF  }
0xcb: {  	[sflag:s0] =	ssyncadd.tile.s32 @!p0 $0x1;
	_ =	shalt  }
.Lfunc_end2:
_tile_overlayer_lowered:
.L_overlay_start_2:
0xcc: {  	(tag) =	ssettag $0x2  }
0xcd: {  	s0 =	rddreg [dreg:$0x0];
	s2 =	stileid.u32  }
0xce: {  	s1 =	rddreg [dreg:$0x1];
	p0 =	sne.s32 s2, $0x0  }
0xcf: {  	s3 =	rddreg [dreg:$0x2];
	[bflag:$0x3] =	sbarrier.arrive $0xFFFF;
	s2 =	simm.s32 @!p0 $0x1C05  }
0xd0: {  	[timem:s3], [sflag:s2] =	dma.local @!p0 [hbm:s0], s1  }
0xd1: {  	s0 =	simm.s32 @!p0 $0x5  }
0xd2: {  	_ =	swait.ge @!p0 [sflag:s0], s1  }
0xd3: {  	s1 =	ssub.s32 @!p0 $0x0, s1;
	[sflag:s0] =	ssyncset.done @!p0 $0x0  }
0xd4: {  	[sflag:s0] =	ssyncadd.s32 @!p0 s1  }
0xd5: {  	[bflag:$0x3] =	sbarrier.arrive $0xFFFF  }
0xd6: {  	_ =	shalt  }

</sc_bundles>
